<compile_context>
chip_gen: v7x
topology: tpu7x:2x2x1
jax: 0.10.2.dev20260603
libtpu: 0.0.44.dev20260713+nightly
codegen_flags: <defaults>
</compile_context>

<pallas_src>
import functools

import jax
import jax.numpy as jnp
from jax import lax
from jax.experimental import pallas as pl
from jax.experimental.pallas import tpu as pltpu
from jax.experimental.pallas import tpu_sc as plsc

_NC = 2
_NS = 16
_NW = _NC * _NS
_D = 128
_CHUNK = 128


@functools.lru_cache(maxsize=None)
def _make_kernel(total, vocab):
    b_per_w = total // _NW
    n_chunk = b_per_w // _CHUNK
    mesh = plsc.VectorSubcoreMesh(core_axis_name="c", subcore_axis_name="s")

    nbuf = 5
    assert n_chunk % nbuf == 0
    look = nbuf - 1

    @functools.partial(
        pl.kernel,
        out_type=jax.ShapeDtypeStruct((total, _D), jnp.float32),
        mesh=mesh,
        scratch_types=[
            pltpu.VMEM((n_chunk, _CHUNK), jnp.int32),
            pltpu.VMEM((nbuf, _CHUNK, _D), jnp.float32),
            pltpu.VMEM_SHARED((vocab, _D), jnp.float32),
            pltpu.SemaphoreType.DMA((nbuf,)),
            pltpu.SemaphoreType.DMA((nbuf,)),
        ],
    )
    def emb(idx_hbm, table_hbm, out_hbm, idx_v, rows_v, table_sh, gsem, osem):
        sid = lax.axis_index("s")
        wid = sid * _NC + lax.axis_index("c")
        base = wid * b_per_w
        rows_per_tile = (-(-vocab // _NS) + 7) // 8 * 8
        n_full = vocab // rows_per_tile
        tail = vocab - n_full * rows_per_tile

        idx_cp = pltpu.make_async_copy(idx_hbm.at[wid], idx_v, osem.at[0])
        idx_cp.start()

        @pl.when(sid < n_full)
        def _():
            pltpu.sync_copy(
                table_hbm.at[pl.ds(sid * rows_per_tile, rows_per_tile)],
                table_sh.at[pl.ds(sid * rows_per_tile, rows_per_tile)])

        if tail:
            @pl.when(sid == n_full)
            def _():
                pltpu.sync_copy(
                    table_hbm.at[pl.ds(n_full * rows_per_tile, tail)],
                    table_sh.at[pl.ds(n_full * rows_per_tile, tail)])
        idx_cp.wait()
        plsc.subcore_barrier()

        def gather(c, slot):
            return pltpu.make_async_copy(
                table_sh.at[idx_v.at[c]], rows_v.at[slot], gsem.at[slot])

        def out_copy(c, slot):
            return pltpu.make_async_copy(
                rows_v.at[slot],
                out_hbm.at[pl.ds(base + c * _CHUNK, _CHUNK)],
                osem.at[slot])

        for b in range(look):
            gather(b, b).start()

        def step(j, b, first=False, last=False):
            pslot = (b - 1) % nbuf
            gather(j, b).wait()
            out_copy(j, b).start()
            if not first:
                out_copy(j - 1, pslot).wait()
            if not last:
                gather(j + look, pslot).start()

        for b in range(nbuf):
            step(b, b, first=(b == 0))

        def body(g, _):
            for b in range(nbuf):
                step(g * nbuf + b, b)
            return 0

        lax.fori_loop(1, n_chunk // nbuf - 1, body, 0)

        for b in range(nbuf):
            step(n_chunk - nbuf + b, b, last=(b != 0))

        out_copy(n_chunk - 1, (n_chunk - 1) % nbuf).wait()

    return emb


def kernel(residue_idx, embed_weight):
    bsz, seq = residue_idx.shape
    total = bsz * seq
    n_chunk = total // (_NW * _CHUNK)
    idx3d = residue_idx.astype(jnp.int32).reshape(_NW, n_chunk, _CHUNK)
    out = _make_kernel(total, embed_weight.shape[0])(idx3d, embed_weight)
    return out.reshape(bsz, seq, _D)

# --- scband reference (transcript-rebuilt; emitter-appended) ---
"""Pipeline reference for scband-position-embedding-learned-8057358647799 (READ-ONLY COPY).

The authoritative reference and input builder live on the scoring server;
editing this copy changes nothing except your own understanding.
"""

import jax, jax.numpy as jnp
import numpy as np


def setup_inputs(seed: int = 0) -> dict:
    key = jax.random.key(seed)
    k1, k2 = jax.random.split(key)
    residue_idx = jax.random.randint(k1, (1024, 200), 0, 3000, dtype=jnp.int64 if jax.config.jax_enable_x64 else jnp.int32)
    embed_weight = jax.random.normal(k2, (3000, 128), dtype=jnp.float32)
    return {"residue_idx": residue_idx, "embed_weight": embed_weight}


def reference(residue_idx, embed_weight):
    # PositionEmbeddingLearned.forward: pos = self.embed(data.residue_idx)
    pos = jnp.take(embed_weight, residue_idx, axis=0)
    return pos

if __name__ == "__main__":
    import jax
    _d = setup_inputs()
    print(jax.jit(kernel)(*tuple(_d.values())))

</pallas_src>

<mosaic_0001>
#map = affine_map<(d0, d1) -> (0, 0, 0)>
#map1 = affine_map<(d0, d1) -> (0, 0)>
module attributes {stable_mosaic.version = 14 : i64} {
  func.func @emb(%arg0: i32, %arg1: i32, %arg2: memref<32x50x128xi32, #tpu.memory_space<hbm>>, %arg3: memref<3000x128xf32, #tpu.memory_space<hbm>>, %arg4: memref<204800x128xf32, #tpu.memory_space<hbm>>, %arg5: memref<50x128xi32, #tpu.memory_space<vmem>>, %arg6: memref<5x128x128xf32, #tpu.memory_space<vmem>>, %arg7: memref<3000x128xf32, #tpu.memory_space<vmem_shared>>, %arg8: memref<5x!tpu.dma_semaphore, #tpu.memory_space<semaphore_mem>>, %arg9: memref<5x!tpu.dma_semaphore, #tpu.memory_space<semaphore_mem>>) attributes {dimension_semantics = [#tpu.dimension_semantics<core_parallel>, #tpu.dimension_semantics<subcore_parallel>], iteration_bounds = array<i64: 2, 16>, scalar_prefetch = 0 : i64, scratch_operands = 5 : i64, tpu.core_type = #tpu.core_type<sc_vector_subcore>, window_params = [{transform_indices = #map}, {transform_indices = #map1}, {transform_indices = #map1}]} {
    %mul3A = arith.constant 2 : i32
    %mul3A_0 = arith.muli %arg1, %mul3A : i32
    %add3A = arith.addi %mul3A_0, %arg0 : i32
    %mul3A_1 = arith.constant 6400 : i32
    %mul3A_2 = arith.muli %add3A, %mul3A_1 : i32
    %dma_start3A = arith.constant 0 : i32
    %dma_start3A_3 = arith.constant 0 : i32
    %dma_start3A_4 = arith.constant 0 : i32
    %dma_start3A_5 = tpu.memref_slice %arg2[%add3A, %dma_start3A_3, %dma_start3A_4] : memref<32x50x128xi32, #tpu.memory_space<hbm>> -> memref<1x50x128xi32, #tpu.memory_space<hbm>>
    %dma_start3A_6 = tpu.memref_squeeze %dma_start3A_5 : memref<1x50x128xi32, #tpu.memory_space<hbm>> -> memref<50x128xi32, #tpu.memory_space<hbm>>
    %dma_start3A_7 = tpu.memref_slice %arg9[%dma_start3A] : memref<5x!tpu.dma_semaphore, #tpu.memory_space<semaphore_mem>> -> memref<1x!tpu.dma_semaphore, #tpu.memory_space<semaphore_mem>>
    %dma_start3A_8 = tpu.memref_squeeze %dma_start3A_7 : memref<1x!tpu.dma_semaphore, #tpu.memory_space<semaphore_mem>> -> memref<!tpu.dma_semaphore, #tpu.memory_space<semaphore_mem>>
    %dma_start3A_9 = arith.constant 0 : i32
    %dma_start3A_10 = arith.constant 0 : i32
    %dma_start3A_11 = tpu.memref_slice %arg2[%add3A, %dma_start3A_9, %dma_start3A_10] : memref<32x50x128xi32, #tpu.memory_space<hbm>> -> memref<1x50x128xi32, #tpu.memory_space<hbm>>
    %dma_start3A_12 = tpu.memref_squeeze %dma_start3A_11 : memref<1x50x128xi32, #tpu.memory_space<hbm>> -> memref<50x128xi32, #tpu.memory_space<hbm>>
    tpu.enqueue_dma source(%dma_start3A_12 : memref<50x128xi32, #tpu.memory_space<hbm>>) target(%arg5 : memref<50x128xi32, #tpu.memory_space<vmem>>) target_semaphore(%dma_start3A_8 : memref<!tpu.dma_semaphore, #tpu.memory_space<semaphore_mem>>)
    %lt3A = arith.constant 15 : i32
    %lt3A_13 = arith.cmpi slt, %arg1, %lt3A : i32
    %convert_element_type3A = arith.extui %lt3A_13 : i1 to i32
    %cond3A = arith.constant 0 : i32
    %cond3A_14 = arith.cmpi ne, %convert_element_type3A, %cond3A : i32
    scf.if %cond3A_14 {
      %mul3A_695 = arith.constant 192 : i32
      %mul3A_696 = arith.muli %arg1, %mul3A_695 : i32
      %mul3A_697 = arith.constant 192 : i32
      %mul3A_698 = arith.muli %arg1, %mul3A_697 : i32
      "tpu.region"() ({
        %run_scoped3A = tpu.sem_alloc : memref<!tpu.dma_semaphore, #tpu.memory_space<semaphore_mem>>
        %dma_start3A_699 = arith.constant 0 : i32
        %dma_start3A_700 = tpu.memref_slice %arg7[%mul3A_698, %dma_start3A_699] : memref<3000x128xf32, #tpu.memory_space<vmem_shared>> -> memref<192x128xf32, #tpu.memory_space<vmem_shared>>
        %dma_start3A_701 = arith.constant 0 : i32
        %dma_start3A_702 = tpu.memref_slice %arg3[%mul3A_696, %dma_start3A_701] : memref<3000x128xf32, #tpu.memory_space<hbm>> -> memref<192x128xf32, #tpu.memory_space<hbm>>
        tpu.enqueue_dma source(%dma_start3A_702 : memref<192x128xf32, #tpu.memory_space<hbm>>) target(%dma_start3A_700 : memref<192x128xf32, #tpu.memory_space<vmem_shared>>) target_semaphore(%run_scoped3A : memref<!tpu.dma_semaphore, #tpu.memory_space<semaphore_mem>>)
        %dma_wait3A_703 = arith.constant 0 : i32
        %dma_wait3A_704 = tpu.memref_slice %arg7[%mul3A_698, %dma_wait3A_703] : memref<3000x128xf32, #tpu.memory_space<vmem_shared>> -> memref<192x128xf32, #tpu.memory_space<vmem_shared>>
        %dma_wait3A_705 = arith.constant 0 : i32
        %dma_wait3A_706 = tpu.memref_slice %arg3[%mul3A_696, %dma_wait3A_705] : memref<3000x128xf32, #tpu.memory_space<hbm>> -> memref<192x128xf32, #tpu.memory_space<hbm>>
        tpu.wait_dma2 semaphore(%run_scoped3A : memref<!tpu.dma_semaphore, #tpu.memory_space<semaphore_mem>>) src(%dma_wait3A_706 : memref<192x128xf32, #tpu.memory_space<hbm>>) dst(%dma_wait3A_704 : memref<192x128xf32, #tpu.memory_space<vmem_shared>>)
        tpu.yield
      }) : () -> ()
    } else {
    }
    %eq3A = arith.constant 15 : i32
    %eq3A_15 = arith.cmpi eq, %arg1, %eq3A : i32
    %convert_element_type3A_16 = arith.extui %eq3A_15 : i1 to i32
    %cond3A_17 = arith.constant 0 : i32
    %cond3A_18 = arith.cmpi ne, %convert_element_type3A_16, %cond3A_17 : i32
    scf.if %cond3A_18 {
      "tpu.region"() ({
        %run_scoped3A = tpu.sem_alloc : memref<!tpu.dma_semaphore, #tpu.memory_space<semaphore_mem>>
        %dma_start3A_695 = arith.constant 2880 : i32
        %dma_start3A_696 = arith.constant 0 : i32
        %dma_start3A_697 = tpu.memref_slice %arg7[%dma_start3A_695, %dma_start3A_696] : memref<3000x128xf32, #tpu.memory_space<vmem_shared>> -> memref<120x128xf32, #tpu.memory_space<vmem_shared>>
        %dma_start3A_698 = arith.constant 2880 : i32
        %dma_start3A_699 = arith.constant 0 : i32
        %dma_start3A_700 = tpu.memref_slice %arg3[%dma_start3A_698, %dma_start3A_699] : memref<3000x128xf32, #tpu.memory_space<hbm>> -> memref<120x128xf32, #tpu.memory_space<hbm>>
        tpu.enqueue_dma source(%dma_start3A_700 : memref<120x128xf32, #tpu.memory_space<hbm>>) target(%dma_start3A_697 : memref<120x128xf32, #tpu.memory_space<vmem_shared>>) target_semaphore(%run_scoped3A : memref<!tpu.dma_semaphore, #tpu.memory_space<semaphore_mem>>)
        %dma_wait3A_701 = arith.constant 2880 : i32
        %dma_wait3A_702 = arith.constant 0 : i32
        %dma_wait3A_703 = tpu.memref_slice %arg7[%dma_wait3A_701, %dma_wait3A_702] : memref<3000x128xf32, #tpu.memory_space<vmem_shared>> -> memref<120x128xf32, #tpu.memory_space<vmem_shared>>
        %dma_wait3A_704 = arith.constant 2880 : i32
        %dma_wait3A_705 = arith.constant 0 : i32
        %dma_wait3A_706 = tpu.memref_slice %arg3[%dma_wait3A_704, %dma_wait3A_705] : memref<3000x128xf32, #tpu.memory_space<hbm>> -> memref<120x128xf32, #tpu.memory_space<hbm>>
        tpu.wait_dma2 semaphore(%run_scoped3A : memref<!tpu.dma_semaphore, #tpu.memory_space<semaphore_mem>>) src(%dma_wait3A_706 : memref<120x128xf32, #tpu.memory_space<hbm>>) dst(%dma_wait3A_703 : memref<120x128xf32, #tpu.memory_space<vmem_shared>>)
        tpu.yield
      }) : () -> ()
    } else {
    }
    %dma_wait3A = arith.constant 0 : i32
    %dma_wait3A_19 = arith.constant 0 : i32
    %dma_wait3A_20 = arith.constant 0 : i32
    %dma_wait3A_21 = tpu.memref_slice %arg2[%add3A, %dma_wait3A_19, %dma_wait3A_20] : memref<32x50x128xi32, #tpu.memory_space<hbm>> -> memref<1x50x128xi32, #tpu.memory_space<hbm>>
    %dma_wait3A_22 = tpu.memref_squeeze %dma_wait3A_21 : memref<1x50x128xi32, #tpu.memory_space<hbm>> -> memref<50x128xi32, #tpu.memory_space<hbm>>
    %dma_wait3A_23 = tpu.memref_slice %arg9[%dma_wait3A] : memref<5x!tpu.dma_semaphore, #tpu.memory_space<semaphore_mem>> -> memref<1x!tpu.dma_semaphore, #tpu.memory_space<semaphore_mem>>
    %dma_wait3A_24 = tpu.memref_squeeze %dma_wait3A_23 : memref<1x!tpu.dma_semaphore, #tpu.memory_space<semaphore_mem>> -> memref<!tpu.dma_semaphore, #tpu.memory_space<semaphore_mem>>
    %dma_wait3A_25 = arith.constant 0 : i32
    %dma_wait3A_26 = arith.constant 0 : i32
    %dma_wait3A_27 = tpu.memref_slice %arg2[%add3A, %dma_wait3A_25, %dma_wait3A_26] : memref<32x50x128xi32, #tpu.memory_space<hbm>> -> memref<1x50x128xi32, #tpu.memory_space<hbm>>
    %dma_wait3A_28 = tpu.memref_squeeze %dma_wait3A_27 : memref<1x50x128xi32, #tpu.memory_space<hbm>> -> memref<50x128xi32, #tpu.memory_space<hbm>>
    tpu.wait_dma2 semaphore(%dma_wait3A_24 : memref<!tpu.dma_semaphore, #tpu.memory_space<semaphore_mem>>) src(%dma_wait3A_28 : memref<50x128xi32, #tpu.memory_space<hbm>>) dst(%arg5 : memref<50x128xi32, #tpu.memory_space<vmem>>)
    %barrier3A = arith.constant 0 : index
    tpu.barrier barrier_id(%barrier3A)
    %dma_start3A_29 = arith.constant 0 : i32
    %dma_start3A_30 = arith.constant 0 : i32
    %dma_start3A_31 = arith.constant 0 : i32
    %dma_start3A_32 = arith.constant 0 : i32
    %dma_start3A_33 = arith.constant 0 : i32
    %dma_start3A_34 = tpu.memref_slice %arg6[%dma_start3A_30, %dma_start3A_32, %dma_start3A_33] : memref<5x128x128xf32, #tpu.memory_space<vmem>> -> memref<1x128x128xf32, #tpu.memory_space<vmem>>
    %dma_start3A_35 = tpu.memref_squeeze %dma_start3A_34 : memref<1x128x128xf32, #tpu.memory_space<vmem>> -> memref<128x128xf32, #tpu.memory_space<vmem>>
    %dma_start3A_36 = arith.constant 0 : i32
    %dma_start3A_37 = tpu.memref_slice %arg5[%dma_start3A_29, %dma_start3A_36] : memref<50x128xi32, #tpu.memory_space<vmem>> -> memref<1x128xi32, #tpu.memory_space<vmem>>
    %dma_start3A_38 = tpu.memref_squeeze %dma_start3A_37 : memref<1x128xi32, #tpu.memory_space<vmem>> -> memref<128xi32, #tpu.memory_space<vmem>>
    %dma_start3A_39 = arith.constant 0 : i32
    %dma_start3A_40 = arith.constant 0 : i32
    %dma_start3A_41 = tpu.memref_slice %arg7[%dma_start3A_39, %dma_start3A_40] : memref<3000x128xf32, #tpu.memory_space<vmem_shared>> -> memref<3000x128xf32, #tpu.memory_space<vmem_shared>>
    %dma_start3A_42 = tpu.memref_slice %arg8[%dma_start3A_31] : memref<5x!tpu.dma_semaphore, #tpu.memory_space<semaphore_mem>> -> memref<1x!tpu.dma_semaphore, #tpu.memory_space<semaphore_mem>>
    %dma_start3A_43 = tpu.memref_squeeze %dma_start3A_42 : memref<1x!tpu.dma_semaphore, #tpu.memory_space<semaphore_mem>> -> memref<!tpu.dma_semaphore, #tpu.memory_space<semaphore_mem>>
    tpu.enqueue_indirect_dma source(%dma_start3A_41 : memref<3000x128xf32, #tpu.memory_space<vmem_shared>>) target(%dma_start3A_35 : memref<128x128xf32, #tpu.memory_space<vmem>>) offsets(%dma_start3A_38 : memref<128xi32, #tpu.memory_space<vmem>>) semaphore(%dma_start3A_43 : memref<!tpu.dma_semaphore, #tpu.memory_space<semaphore_mem>>)
    %dma_start3A_44 = arith.constant 1 : i32
    %dma_start3A_45 = arith.constant 1 : i32
    %dma_start3A_46 = arith.constant 1 : i32
    %dma_start3A_47 = arith.constant 0 : i32
    %dma_start3A_48 = arith.constant 0 : i32
    %dma_start3A_49 = tpu.memref_slice %arg6[%dma_start3A_45, %dma_start3A_47, %dma_start3A_48] : memref<5x128x128xf32, #tpu.memory_space<vmem>> -> memref<1x128x128xf32, #tpu.memory_space<vmem>>
    %dma_start3A_50 = tpu.memref_squeeze %dma_start3A_49 : memref<1x128x128xf32, #tpu.memory_space<vmem>> -> memref<128x128xf32, #tpu.memory_space<vmem>>
    %dma_start3A_51 = arith.constant 0 : i32
    %dma_start3A_52 = tpu.memref_slice %arg5[%dma_start3A_44, %dma_start3A_51] : memref<50x128xi32, #tpu.memory_space<vmem>> -> memref<1x128xi32, #tpu.memory_space<vmem>>
    %dma_start3A_53 = tpu.memref_squeeze %dma_start3A_52 : memref<1x128xi32, #tpu.memory_space<vmem>> -> memref<128xi32, #tpu.memory_space<vmem>>
    %dma_start3A_54 = arith.constant 0 : i32
    %dma_start3A_55 = arith.constant 0 : i32
    %dma_start3A_56 = tpu.memref_slice %arg7[%dma_start3A_54, %dma_start3A_55] : memref<3000x128xf32, #tpu.memory_space<vmem_shared>> -> memref<3000x128xf32, #tpu.memory_space<vmem_shared>>
    %dma_start3A_57 = tpu.memref_slice %arg8[%dma_start3A_46] : memref<5x!tpu.dma_semaphore, #tpu.memory_space<semaphore_mem>> -> memref<1x!tpu.dma_semaphore, #tpu.memory_space<semaphore_mem>>
    %dma_start3A_58 = tpu.memref_squeeze %dma_start3A_57 : memref<1x!tpu.dma_semaphore, #tpu.memory_space<semaphore_mem>> -> memref<!tpu.dma_semaphore, #tpu.memory_space<semaphore_mem>>
    tpu.enqueue_indirect_dma source(%dma_start3A_56 : memref<3000x128xf32, #tpu.memory_space<vmem_shared>>) target(%dma_start3A_50 : memref<128x128xf32, #tpu.memory_space<vmem>>) offsets(%dma_start3A_53 : memref<128xi32, #tpu.memory_space<vmem>>) semaphore(%dma_start3A_58 : memref<!tpu.dma_semaphore, #tpu.memory_space<semaphore_mem>>)
    %dma_start3A_59 = arith.constant 2 : i32
    %dma_start3A_60 = arith.constant 2 : i32
    %dma_start3A_61 = arith.constant 2 : i32
    %dma_start3A_62 = arith.constant 0 : i32
    %dma_start3A_63 = arith.constant 0 : i32
    %dma_start3A_64 = tpu.memref_slice %arg6[%dma_start3A_60, %dma_start3A_62, %dma_start3A_63] : memref<5x128x128xf32, #tpu.memory_space<vmem>> -> memref<1x128x128xf32, #tpu.memory_space<vmem>>
    %dma_start3A_65 = tpu.memref_squeeze %dma_start3A_64 : memref<1x128x128xf32, #tpu.memory_space<vmem>> -> memref<128x128xf32, #tpu.memory_space<vmem>>
    %dma_start3A_66 = arith.constant 0 : i32
    %dma_start3A_67 = tpu.memref_slice %arg5[%dma_start3A_59, %dma_start3A_66] : memref<50x128xi32, #tpu.memory_space<vmem>> -> memref<1x128xi32, #tpu.memory_space<vmem>>
    %dma_start3A_68 = tpu.memref_squeeze %dma_start3A_67 : memref<1x128xi32, #tpu.memory_space<vmem>> -> memref<128xi32, #tpu.memory_space<vmem>>
    %dma_start3A_69 = arith.constant 0 : i32
    %dma_start3A_70 = arith.constant 0 : i32
    %dma_start3A_71 = tpu.memref_slice %arg7[%dma_start3A_69, %dma_start3A_70] : memref<3000x128xf32, #tpu.memory_space<vmem_shared>> -> memref<3000x128xf32, #tpu.memory_space<vmem_shared>>
    %dma_start3A_72 = tpu.memref_slice %arg8[%dma_start3A_61] : memref<5x!tpu.dma_semaphore, #tpu.memory_space<semaphore_mem>> -> memref<1x!tpu.dma_semaphore, #tpu.memory_space<semaphore_mem>>
    %dma_start3A_73 = tpu.memref_squeeze %dma_start3A_72 : memref<1x!tpu.dma_semaphore, #tpu.memory_space<semaphore_mem>> -> memref<!tpu.dma_semaphore, #tpu.memory_space<semaphore_mem>>
    tpu.enqueue_indirect_dma source(%dma_start3A_71 : memref<3000x128xf32, #tpu.memory_space<vmem_shared>>) target(%dma_start3A_65 : memref<128x128xf32, #tpu.memory_space<vmem>>) offsets(%dma_start3A_68 : memref<128xi32, #tpu.memory_space<vmem>>) semaphore(%dma_start3A_73 : memref<!tpu.dma_semaphore, #tpu.memory_space<semaphore_mem>>)
    %dma_start3A_74 = arith.constant 3 : i32
    %dma_start3A_75 = arith.constant 3 : i32
    %dma_start3A_76 = arith.constant 3 : i32
    %dma_start3A_77 = arith.constant 0 : i32
    %dma_start3A_78 = arith.constant 0 : i32
    %dma_start3A_79 = tpu.memref_slice %arg6[%dma_start3A_75, %dma_start3A_77, %dma_start3A_78] : memref<5x128x128xf32, #tpu.memory_space<vmem>> -> memref<1x128x128xf32, #tpu.memory_space<vmem>>
    %dma_start3A_80 = tpu.memref_squeeze %dma_start3A_79 : memref<1x128x128xf32, #tpu.memory_space<vmem>> -> memref<128x128xf32, #tpu.memory_space<vmem>>
    %dma_start3A_81 = arith.constant 0 : i32
    %dma_start3A_82 = tpu.memref_slice %arg5[%dma_start3A_74, %dma_start3A_81] : memref<50x128xi32, #tpu.memory_space<vmem>> -> memref<1x128xi32, #tpu.memory_space<vmem>>
    %dma_start3A_83 = tpu.memref_squeeze %dma_start3A_82 : memref<1x128xi32, #tpu.memory_space<vmem>> -> memref<128xi32, #tpu.memory_space<vmem>>
    %dma_start3A_84 = arith.constant 0 : i32
    %dma_start3A_85 = arith.constant 0 : i32
    %dma_start3A_86 = tpu.memref_slice %arg7[%dma_start3A_84, %dma_start3A_85] : memref<3000x128xf32, #tpu.memory_space<vmem_shared>> -> memref<3000x128xf32, #tpu.memory_space<vmem_shared>>
    %dma_start3A_87 = tpu.memref_slice %arg8[%dma_start3A_76] : memref<5x!tpu.dma_semaphore, #tpu.memory_space<semaphore_mem>> -> memref<1x!tpu.dma_semaphore, #tpu.memory_space<semaphore_mem>>
    %dma_start3A_88 = tpu.memref_squeeze %dma_start3A_87 : memref<1x!tpu.dma_semaphore, #tpu.memory_space<semaphore_mem>> -> memref<!tpu.dma_semaphore, #tpu.memory_space<semaphore_mem>>
    tpu.enqueue_indirect_dma source(%dma_start3A_86 : memref<3000x128xf32, #tpu.memory_space<vmem_shared>>) target(%dma_start3A_80 : memref<128x128xf32, #tpu.memory_space<vmem>>) offsets(%dma_start3A_83 : memref<128xi32, #tpu.memory_space<vmem>>) semaphore(%dma_start3A_88 : memref<!tpu.dma_semaphore, #tpu.memory_space<semaphore_mem>>)
    %dma_wait3A_89 = arith.constant 0 : i32
    %dma_wait3A_90 = arith.constant 0 : i32
    %dma_wait3A_91 = arith.constant 0 : i32
    %dma_wait3A_92 = arith.constant 0 : i32
    %dma_wait3A_93 = arith.constant 0 : i32
    %dma_wait3A_94 = tpu.memref_slice %arg6[%dma_wait3A_90, %dma_wait3A_92, %dma_wait3A_93] : memref<5x128x128xf32, #tpu.memory_space<vmem>> -> memref<1x128x128xf32, #tpu.memory_space<vmem>>
    %dma_wait3A_95 = tpu.memref_squeeze %dma_wait3A_94 : memref<1x128x128xf32, #tpu.memory_space<vmem>> -> memref<128x128xf32, #tpu.memory_space<vmem>>
    %dma_wait3A_96 = arith.constant 0 : i32
    %dma_wait3A_97 = tpu.memref_slice %arg5[%dma_wait3A_89, %dma_wait3A_96] : memref<50x128xi32, #tpu.memory_space<vmem>> -> memref<1x128xi32, #tpu.memory_space<vmem>>
    %dma_wait3A_98 = tpu.memref_squeeze %dma_wait3A_97 : memref<1x128xi32, #tpu.memory_space<vmem>> -> memref<128xi32, #tpu.memory_space<vmem>>
    %dma_wait3A_99 = arith.constant 0 : i32
    %dma_wait3A_100 = arith.constant 0 : i32
    %dma_wait3A_101 = tpu.memref_slice %arg7[%dma_wait3A_99, %dma_wait3A_100] : memref<3000x128xf32, #tpu.memory_space<vmem_shared>> -> memref<3000x128xf32, #tpu.memory_space<vmem_shared>>
    %dma_wait3A_102 = tpu.memref_slice %arg8[%dma_wait3A_91] : memref<5x!tpu.dma_semaphore, #tpu.memory_space<semaphore_mem>> -> memref<1x!tpu.dma_semaphore, #tpu.memory_space<semaphore_mem>>
    %dma_wait3A_103 = tpu.memref_squeeze %dma_wait3A_102 : memref<1x!tpu.dma_semaphore, #tpu.memory_space<semaphore_mem>> -> memref<!tpu.dma_semaphore, #tpu.memory_space<semaphore_mem>>
    tpu.wait_indirect_dma semaphore(%dma_wait3A_103 : memref<!tpu.dma_semaphore, #tpu.memory_space<semaphore_mem>>) src(%dma_wait3A_101 : memref<3000x128xf32, #tpu.memory_space<vmem_shared>>) dst(%dma_wait3A_95 : memref<128x128xf32, #tpu.memory_space<vmem>>)
    %add3A_104 = arith.constant 0 : i32
    %add3A_105 = arith.addi %mul3A_2, %add3A_104 : i32
    %dma_start3A_106 = arith.constant 0 : i32
    %dma_start3A_107 = arith.constant 0 : i32
    %dma_start3A_108 = arith.constant 0 : i32
    %dma_start3A_109 = arith.constant 0 : i32
    %dma_start3A_110 = tpu.memref_slice %arg6[%dma_start3A_106, %dma_start3A_108, %dma_start3A_109] : memref<5x128x128xf32, #tpu.memory_space<vmem>> -> memref<1x128x128xf32, #tpu.memory_space<vmem>>
    %dma_start3A_111 = tpu.memref_squeeze %dma_start3A_110 : memref<1x128x128xf32, #tpu.memory_space<vmem>> -> memref<128x128xf32, #tpu.memory_space<vmem>>
    %dma_start3A_112 = arith.constant 0 : i32
    %dma_start3A_113 = tpu.memref_slice %arg4[%add3A_105, %dma_start3A_112] : memref<204800x128xf32, #tpu.memory_space<hbm>> -> memref<128x128xf32, #tpu.memory_space<hbm>>
    %dma_start3A_114 = tpu.memref_slice %arg9[%dma_start3A_107] : memref<5x!tpu.dma_semaphore, #tpu.memory_space<semaphore_mem>> -> memref<1x!tpu.dma_semaphore, #tpu.memory_space<semaphore_mem>>
    %dma_start3A_115 = tpu.memref_squeeze %dma_start3A_114 : memref<1x!tpu.dma_semaphore, #tpu.memory_space<semaphore_mem>> -> memref<!tpu.dma_semaphore, #tpu.memory_space<semaphore_mem>>
    %dma_start3A_116 = arith.constant 0 : i32
    %dma_start3A_117 = tpu.memref_slice %arg4[%add3A_105, %dma_start3A_116] : memref<204800x128xf32, #tpu.memory_space<hbm>> -> memref<128x128xf32, #tpu.memory_space<hbm>>
    %dma_start3A_118 = arith.constant 0 : i32
    %dma_start3A_119 = arith.constant 0 : i32
    %dma_start3A_120 = tpu.memref_slice %arg6[%dma_start3A_106, %dma_start3A_118, %dma_start3A_119] : memref<5x128x128xf32, #tpu.memory_space<vmem>> -> memref<1x128x128xf32, #tpu.memory_space<vmem>>
    %dma_start3A_121 = tpu.memref_squeeze %dma_start3A_120 : memref<1x128x128xf32, #tpu.memory_space<vmem>> -> memref<128x128xf32, #tpu.memory_space<vmem>>
    tpu.enqueue_dma source(%dma_start3A_121 : memref<128x128xf32, #tpu.memory_space<vmem>>) target(%dma_start3A_117 : memref<128x128xf32, #tpu.memory_space<hbm>>) target_semaphore(%dma_start3A_115 : memref<!tpu.dma_semaphore, #tpu.memory_space<semaphore_mem>>)
    %dma_start3A_122 = arith.constant 4 : i32
    %dma_start3A_123 = arith.constant 4 : i32
    %dma_start3A_124 = arith.constant 4 : i32
    %dma_start3A_125 = arith.constant 0 : i32
    %dma_start3A_126 = arith.constant 0 : i32
    %dma_start3A_127 = tpu.memref_slice %arg6[%dma_start3A_123, %dma_start3A_125, %dma_start3A_126] : memref<5x128x128xf32, #tpu.memory_space<vmem>> -> memref<1x128x128xf32, #tpu.memory_space<vmem>>
    %dma_start3A_128 = tpu.memref_squeeze %dma_start3A_127 : memref<1x128x128xf32, #tpu.memory_space<vmem>> -> memref<128x128xf32, #tpu.memory_space<vmem>>
    %dma_start3A_129 = arith.constant 0 : i32
    %dma_start3A_130 = tpu.memref_slice %arg5[%dma_start3A_122, %dma_start3A_129] : memref<50x128xi32, #tpu.memory_space<vmem>> -> memref<1x128xi32, #tpu.memory_space<vmem>>
    %dma_start3A_131 = tpu.memref_squeeze %dma_start3A_130 : memref<1x128xi32, #tpu.memory_space<vmem>> -> memref<128xi32, #tpu.memory_space<vmem>>
    %dma_start3A_132 = arith.constant 0 : i32
    %dma_start3A_133 = arith.constant 0 : i32
    %dma_start3A_134 = tpu.memref_slice %arg7[%dma_start3A_132, %dma_start3A_133] : memref<3000x128xf32, #tpu.memory_space<vmem_shared>> -> memref<3000x128xf32, #tpu.memory_space<vmem_shared>>
    %dma_start3A_135 = tpu.memref_slice %arg8[%dma_start3A_124] : memref<5x!tpu.dma_semaphore, #tpu.memory_space<semaphore_mem>> -> memref<1x!tpu.dma_semaphore, #tpu.memory_space<semaphore_mem>>
    %dma_start3A_136 = tpu.memref_squeeze %dma_start3A_135 : memref<1x!tpu.dma_semaphore, #tpu.memory_space<semaphore_mem>> -> memref<!tpu.dma_semaphore, #tpu.memory_space<semaphore_mem>>
    tpu.enqueue_indirect_dma source(%dma_start3A_134 : memref<3000x128xf32, #tpu.memory_space<vmem_shared>>) target(%dma_start3A_128 : memref<128x128xf32, #tpu.memory_space<vmem>>) offsets(%dma_start3A_131 : memref<128xi32, #tpu.memory_space<vmem>>) semaphore(%dma_start3A_136 : memref<!tpu.dma_semaphore, #tpu.memory_space<semaphore_mem>>)
    %dma_wait3A_137 = arith.constant 1 : i32
    %dma_wait3A_138 = arith.constant 1 : i32
    %dma_wait3A_139 = arith.constant 1 : i32
    %dma_wait3A_140 = arith.constant 0 : i32
    %dma_wait3A_141 = arith.constant 0 : i32
    %dma_wait3A_142 = tpu.memref_slice %arg6[%dma_wait3A_138, %dma_wait3A_140, %dma_wait3A_141] : memref<5x128x128xf32, #tpu.memory_space<vmem>> -> memref<1x128x128xf32, #tpu.memory_space<vmem>>
    %dma_wait3A_143 = tpu.memref_squeeze %dma_wait3A_142 : memref<1x128x128xf32, #tpu.memory_space<vmem>> -> memref<128x128xf32, #tpu.memory_space<vmem>>
    %dma_wait3A_144 = arith.constant 0 : i32
    %dma_wait3A_145 = tpu.memref_slice %arg5[%dma_wait3A_137, %dma_wait3A_144] : memref<50x128xi32, #tpu.memory_space<vmem>> -> memref<1x128xi32, #tpu.memory_space<vmem>>
    %dma_wait3A_146 = tpu.memref_squeeze %dma_wait3A_145 : memref<1x128xi32, #tpu.memory_space<vmem>> -> memref<128xi32, #tpu.memory_space<vmem>>
    %dma_wait3A_147 = arith.constant 0 : i32
    %dma_wait3A_148 = arith.constant 0 : i32
    %dma_wait3A_149 = tpu.memref_slice %arg7[%dma_wait3A_147, %dma_wait3A_148] : memref<3000x128xf32, #tpu.memory_space<vmem_shared>> -> memref<3000x128xf32, #tpu.memory_space<vmem_shared>>
    %dma_wait3A_150 = tpu.memref_slice %arg8[%dma_wait3A_139] : memref<5x!tpu.dma_semaphore, #tpu.memory_space<semaphore_mem>> -> memref<1x!tpu.dma_semaphore, #tpu.memory_space<semaphore_mem>>
    %dma_wait3A_151 = tpu.memref_squeeze %dma_wait3A_150 : memref<1x!tpu.dma_semaphore, #tpu.memory_space<semaphore_mem>> -> memref<!tpu.dma_semaphore, #tpu.memory_space<semaphore_mem>>
    tpu.wait_indirect_dma semaphore(%dma_wait3A_151 : memref<!tpu.dma_semaphore, #tpu.memory_space<semaphore_mem>>) src(%dma_wait3A_149 : memref<3000x128xf32, #tpu.memory_space<vmem_shared>>) dst(%dma_wait3A_143 : memref<128x128xf32, #tpu.memory_space<vmem>>)
    %add3A_152 = arith.constant 128 : i32
    %add3A_153 = arith.addi %mul3A_2, %add3A_152 : i32
    %dma_start3A_154 = arith.constant 1 : i32
    %dma_start3A_155 = arith.constant 1 : i32
    %dma_start3A_156 = arith.constant 0 : i32
    %dma_start3A_157 = arith.constant 0 : i32
    %dma_start3A_158 = tpu.memref_slice %arg6[%dma_start3A_154, %dma_start3A_156, %dma_start3A_157] : memref<5x128x128xf32, #tpu.memory_space<vmem>> -> memref<1x128x128xf32, #tpu.memory_space<vmem>>
    %dma_start3A_159 = tpu.memref_squeeze %dma_start3A_158 : memref<1x128x128xf32, #tpu.memory_space<vmem>> -> memref<128x128xf32, #tpu.memory_space<vmem>>
    %dma_start3A_160 = arith.constant 0 : i32
    %dma_start3A_161 = tpu.memref_slice %arg4[%add3A_153, %dma_start3A_160] : memref<204800x128xf32, #tpu.memory_space<hbm>> -> memref<128x128xf32, #tpu.memory_space<hbm>>
    %dma_start3A_162 = tpu.memref_slice %arg9[%dma_start3A_155] : memref<5x!tpu.dma_semaphore, #tpu.memory_space<semaphore_mem>> -> memref<1x!tpu.dma_semaphore, #tpu.memory_space<semaphore_mem>>
    %dma_start3A_163 = tpu.memref_squeeze %dma_start3A_162 : memref<1x!tpu.dma_semaphore, #tpu.memory_space<semaphore_mem>> -> memref<!tpu.dma_semaphore, #tpu.memory_space<semaphore_mem>>
    %dma_start3A_164 = arith.constant 0 : i32
    %dma_start3A_165 = tpu.memref_slice %arg4[%add3A_153, %dma_start3A_164] : memref<204800x128xf32, #tpu.memory_space<hbm>> -> memref<128x128xf32, #tpu.memory_space<hbm>>
    %dma_start3A_166 = arith.constant 0 : i32
    %dma_start3A_167 = arith.constant 0 : i32
    %dma_start3A_168 = tpu.memref_slice %arg6[%dma_start3A_154, %dma_start3A_166, %dma_start3A_167] : memref<5x128x128xf32, #tpu.memory_space<vmem>> -> memref<1x128x128xf32, #tpu.memory_space<vmem>>
    %dma_start3A_169 = tpu.memref_squeeze %dma_start3A_168 : memref<1x128x128xf32, #tpu.memory_space<vmem>> -> memref<128x128xf32, #tpu.memory_space<vmem>>
    tpu.enqueue_dma source(%dma_start3A_169 : memref<128x128xf32, #tpu.memory_space<vmem>>) target(%dma_start3A_165 : memref<128x128xf32, #tpu.memory_space<hbm>>) target_semaphore(%dma_start3A_163 : memref<!tpu.dma_semaphore, #tpu.memory_space<semaphore_mem>>)
    %add3A_170 = arith.constant 0 : i32
    %add3A_171 = arith.addi %mul3A_2, %add3A_170 : i32
    %dma_wait3A_172 = arith.constant 0 : i32
    %dma_wait3A_173 = arith.constant 0 : i32
    %dma_wait3A_174 = arith.constant 0 : i32
    %dma_wait3A_175 = arith.constant 0 : i32
    %dma_wait3A_176 = tpu.memref_slice %arg6[%dma_wait3A_172, %dma_wait3A_174, %dma_wait3A_175] : memref<5x128x128xf32, #tpu.memory_space<vmem>> -> memref<1x128x128xf32, #tpu.memory_space<vmem>>
    %dma_wait3A_177 = tpu.memref_squeeze %dma_wait3A_176 : memref<1x128x128xf32, #tpu.memory_space<vmem>> -> memref<128x128xf32, #tpu.memory_space<vmem>>
    %dma_wait3A_178 = arith.constant 0 : i32
    %dma_wait3A_179 = tpu.memref_slice %arg4[%add3A_171, %dma_wait3A_178] : memref<204800x128xf32, #tpu.memory_space<hbm>> -> memref<128x128xf32, #tpu.memory_space<hbm>>
    %dma_wait3A_180 = tpu.memref_slice %arg9[%dma_wait3A_173] : memref<5x!tpu.dma_semaphore, #tpu.memory_space<semaphore_mem>> -> memref<1x!tpu.dma_semaphore, #tpu.memory_space<semaphore_mem>>
    %dma_wait3A_181 = tpu.memref_squeeze %dma_wait3A_180 : memref<1x!tpu.dma_semaphore, #tpu.memory_space<semaphore_mem>> -> memref<!tpu.dma_semaphore, #tpu.memory_space<semaphore_mem>>
    %dma_wait3A_182 = arith.constant 0 : i32
    %dma_wait3A_183 = tpu.memref_slice %arg4[%add3A_171, %dma_wait3A_182] : memref<204800x128xf32, #tpu.memory_space<hbm>> -> memref<128x128xf32, #tpu.memory_space<hbm>>
    %dma_wait3A_184 = arith.constant 0 : i32
    %dma_wait3A_185 = arith.constant 0 : i32
    %dma_wait3A_186 = tpu.memref_slice %arg6[%dma_wait3A_172, %dma_wait3A_184, %dma_wait3A_185] : memref<5x128x128xf32, #tpu.memory_space<vmem>> -> memref<1x128x128xf32, #tpu.memory_space<vmem>>
    %dma_wait3A_187 = tpu.memref_squeeze %dma_wait3A_186 : memref<1x128x128xf32, #tpu.memory_space<vmem>> -> memref<128x128xf32, #tpu.memory_space<vmem>>
    tpu.wait_dma2 semaphore(%dma_wait3A_181 : memref<!tpu.dma_semaphore, #tpu.memory_space<semaphore_mem>>) src(%dma_wait3A_187 : memref<128x128xf32, #tpu.memory_space<vmem>>) dst(%dma_wait3A_183 : memref<128x128xf32, #tpu.memory_space<hbm>>)
    %dma_start3A_188 = arith.constant 5 : i32
    %dma_start3A_189 = arith.constant 0 : i32
    %dma_start3A_190 = arith.constant 0 : i32
    %dma_start3A_191 = arith.constant 0 : i32
    %dma_start3A_192 = arith.constant 0 : i32
    %dma_start3A_193 = tpu.memref_slice %arg6[%dma_start3A_189, %dma_start3A_191, %dma_start3A_192] : memref<5x128x128xf32, #tpu.memory_space<vmem>> -> memref<1x128x128xf32, #tpu.memory_space<vmem>>
    %dma_start3A_194 = tpu.memref_squeeze %dma_start3A_193 : memref<1x128x128xf32, #tpu.memory_space<vmem>> -> memref<128x128xf32, #tpu.memory_space<vmem>>
    %dma_start3A_195 = arith.constant 0 : i32
    %dma_start3A_196 = tpu.memref_slice %arg5[%dma_start3A_188, %dma_start3A_195] : memref<50x128xi32, #tpu.memory_space<vmem>> -> memref<1x128xi32, #tpu.memory_space<vmem>>
    %dma_start3A_197 = tpu.memref_squeeze %dma_start3A_196 : memref<1x128xi32, #tpu.memory_space<vmem>> -> memref<128xi32, #tpu.memory_space<vmem>>
    %dma_start3A_198 = arith.constant 0 : i32
    %dma_start3A_199 = arith.constant 0 : i32
    %dma_start3A_200 = tpu.memref_slice %arg7[%dma_start3A_198, %dma_start3A_199] : memref<3000x128xf32, #tpu.memory_space<vmem_shared>> -> memref<3000x128xf32, #tpu.memory_space<vmem_shared>>
    %dma_start3A_201 = tpu.memref_slice %arg8[%dma_start3A_190] : memref<5x!tpu.dma_semaphore, #tpu.memory_space<semaphore_mem>> -> memref<1x!tpu.dma_semaphore, #tpu.memory_space<semaphore_mem>>
    %dma_start3A_202 = tpu.memref_squeeze %dma_start3A_201 : memref<1x!tpu.dma_semaphore, #tpu.memory_space<semaphore_mem>> -> memref<!tpu.dma_semaphore, #tpu.memory_space<semaphore_mem>>
    tpu.enqueue_indirect_dma source(%dma_start3A_200 : memref<3000x128xf32, #tpu.memory_space<vmem_shared>>) target(%dma_start3A_194 : memref<128x128xf32, #tpu.memory_space<vmem>>) offsets(%dma_start3A_197 : memref<128xi32, #tpu.memory_space<vmem>>) semaphore(%dma_start3A_202 : memref<!tpu.dma_semaphore, #tpu.memory_space<semaphore_mem>>)
    %dma_wait3A_203 = arith.constant 2 : i32
    %dma_wait3A_204 = arith.constant 2 : i32
    %dma_wait3A_205 = arith.constant 2 : i32
    %dma_wait3A_206 = arith.constant 0 : i32
    %dma_wait3A_207 = arith.constant 0 : i32
    %dma_wait3A_208 = tpu.memref_slice %arg6[%dma_wait3A_204, %dma_wait3A_206, %dma_wait3A_207] : memref<5x128x128xf32, #tpu.memory_space<vmem>> -> memref<1x128x128xf32, #tpu.memory_space<vmem>>
    %dma_wait3A_209 = tpu.memref_squeeze %dma_wait3A_208 : memref<1x128x128xf32, #tpu.memory_space<vmem>> -> memref<128x128xf32, #tpu.memory_space<vmem>>
    %dma_wait3A_210 = arith.constant 0 : i32
    %dma_wait3A_211 = tpu.memref_slice %arg5[%dma_wait3A_203, %dma_wait3A_210] : memref<50x128xi32, #tpu.memory_space<vmem>> -> memref<1x128xi32, #tpu.memory_space<vmem>>
    %dma_wait3A_212 = tpu.memref_squeeze %dma_wait3A_211 : memref<1x128xi32, #tpu.memory_space<vmem>> -> memref<128xi32, #tpu.memory_space<vmem>>
    %dma_wait3A_213 = arith.constant 0 : i32
    %dma_wait3A_214 = arith.constant 0 : i32
    %dma_wait3A_215 = tpu.memref_slice %arg7[%dma_wait3A_213, %dma_wait3A_214] : memref<3000x128xf32, #tpu.memory_space<vmem_shared>> -> memref<3000x128xf32, #tpu.memory_space<vmem_shared>>
    %dma_wait3A_216 = tpu.memref_slice %arg8[%dma_wait3A_205] : memref<5x!tpu.dma_semaphore, #tpu.memory_space<semaphore_mem>> -> memref<1x!tpu.dma_semaphore, #tpu.memory_space<semaphore_mem>>
    %dma_wait3A_217 = tpu.memref_squeeze %dma_wait3A_216 : memref<1x!tpu.dma_semaphore, #tpu.memory_space<semaphore_mem>> -> memref<!tpu.dma_semaphore, #tpu.memory_space<semaphore_mem>>
    tpu.wait_indirect_dma semaphore(%dma_wait3A_217 : memref<!tpu.dma_semaphore, #tpu.memory_space<semaphore_mem>>) src(%dma_wait3A_215 : memref<3000x128xf32, #tpu.memory_space<vmem_shared>>) dst(%dma_wait3A_209 : memref<128x128xf32, #tpu.memory_space<vmem>>)
    %add3A_218 = arith.constant 256 : i32
    %add3A_219 = arith.addi %mul3A_2, %add3A_218 : i32
    %dma_start3A_220 = arith.constant 2 : i32
    %dma_start3A_221 = arith.constant 2 : i32
    %dma_start3A_222 = arith.constant 0 : i32
    %dma_start3A_223 = arith.constant 0 : i32
    %dma_start3A_224 = tpu.memref_slice %arg6[%dma_start3A_220, %dma_start3A_222, %dma_start3A_223] : memref<5x128x128xf32, #tpu.memory_space<vmem>> -> memref<1x128x128xf32, #tpu.memory_space<vmem>>
    %dma_start3A_225 = tpu.memref_squeeze %dma_start3A_224 : memref<1x128x128xf32, #tpu.memory_space<vmem>> -> memref<128x128xf32, #tpu.memory_space<vmem>>
    %dma_start3A_226 = arith.constant 0 : i32
    %dma_start3A_227 = tpu.memref_slice %arg4[%add3A_219, %dma_start3A_226] : memref<204800x128xf32, #tpu.memory_space<hbm>> -> memref<128x128xf32, #tpu.memory_space<hbm>>
    %dma_start3A_228 = tpu.memref_slice %arg9[%dma_start3A_221] : memref<5x!tpu.dma_semaphore, #tpu.memory_space<semaphore_mem>> -> memref<1x!tpu.dma_semaphore, #tpu.memory_space<semaphore_mem>>
    %dma_start3A_229 = tpu.memref_squeeze %dma_start3A_228 : memref<1x!tpu.dma_semaphore, #tpu.memory_space<semaphore_mem>> -> memref<!tpu.dma_semaphore, #tpu.memory_space<semaphore_mem>>
    %dma_start3A_230 = arith.constant 0 : i32
    %dma_start3A_231 = tpu.memref_slice %arg4[%add3A_219, %dma_start3A_230] : memref<204800x128xf32, #tpu.memory_space<hbm>> -> memref<128x128xf32, #tpu.memory_space<hbm>>
    %dma_start3A_232 = arith.constant 0 : i32
    %dma_start3A_233 = arith.constant 0 : i32
    %dma_start3A_234 = tpu.memref_slice %arg6[%dma_start3A_220, %dma_start3A_232, %dma_start3A_233] : memref<5x128x128xf32, #tpu.memory_space<vmem>> -> memref<1x128x128xf32, #tpu.memory_space<vmem>>
    %dma_start3A_235 = tpu.memref_squeeze %dma_start3A_234 : memref<1x128x128xf32, #tpu.memory_space<vmem>> -> memref<128x128xf32, #tpu.memory_space<vmem>>
    tpu.enqueue_dma source(%dma_start3A_235 : memref<128x128xf32, #tpu.memory_space<vmem>>) target(%dma_start3A_231 : memref<128x128xf32, #tpu.memory_space<hbm>>) target_semaphore(%dma_start3A_229 : memref<!tpu.dma_semaphore, #tpu.memory_space<semaphore_mem>>)
    %add3A_236 = arith.constant 128 : i32
    %add3A_237 = arith.addi %mul3A_2, %add3A_236 : i32
    %dma_wait3A_238 = arith.constant 1 : i32
    %dma_wait3A_239 = arith.constant 1 : i32
    %dma_wait3A_240 = arith.constant 0 : i32
    %dma_wait3A_241 = arith.constant 0 : i32
    %dma_wait3A_242 = tpu.memref_slice %arg6[%dma_wait3A_238, %dma_wait3A_240, %dma_wait3A_241] : memref<5x128x128xf32, #tpu.memory_space<vmem>> -> memref<1x128x128xf32, #tpu.memory_space<vmem>>
    %dma_wait3A_243 = tpu.memref_squeeze %dma_wait3A_242 : memref<1x128x128xf32, #tpu.memory_space<vmem>> -> memref<128x128xf32, #tpu.memory_space<vmem>>
    %dma_wait3A_244 = arith.constant 0 : i32
    %dma_wait3A_245 = tpu.memref_slice %arg4[%add3A_237, %dma_wait3A_244] : memref<204800x128xf32, #tpu.memory_space<hbm>> -> memref<128x128xf32, #tpu.memory_space<hbm>>
    %dma_wait3A_246 = tpu.memref_slice %arg9[%dma_wait3A_239] : memref<5x!tpu.dma_semaphore, #tpu.memory_space<semaphore_mem>> -> memref<1x!tpu.dma_semaphore, #tpu.memory_space<semaphore_mem>>
    %dma_wait3A_247 = tpu.memref_squeeze %dma_wait3A_246 : memref<1x!tpu.dma_semaphore, #tpu.memory_space<semaphore_mem>> -> memref<!tpu.dma_semaphore, #tpu.memory_space<semaphore_mem>>
    %dma_wait3A_248 = arith.constant 0 : i32
    %dma_wait3A_249 = tpu.memref_slice %arg4[%add3A_237, %dma_wait3A_248] : memref<204800x128xf32, #tpu.memory_space<hbm>> -> memref<128x128xf32, #tpu.memory_space<hbm>>
    %dma_wait3A_250 = arith.constant 0 : i32
    %dma_wait3A_251 = arith.constant 0 : i32
    %dma_wait3A_252 = tpu.memref_slice %arg6[%dma_wait3A_238, %dma_wait3A_250, %dma_wait3A_251] : memref<5x128x128xf32, #tpu.memory_space<vmem>> -> memref<1x128x128xf32, #tpu.memory_space<vmem>>
    %dma_wait3A_253 = tpu.memref_squeeze %dma_wait3A_252 : memref<1x128x128xf32, #tpu.memory_space<vmem>> -> memref<128x128xf32, #tpu.memory_space<vmem>>
    tpu.wait_dma2 semaphore(%dma_wait3A_247 : memref<!tpu.dma_semaphore, #tpu.memory_space<semaphore_mem>>) src(%dma_wait3A_253 : memref<128x128xf32, #tpu.memory_space<vmem>>) dst(%dma_wait3A_249 : memref<128x128xf32, #tpu.memory_space<hbm>>)
    %dma_start3A_254 = arith.constant 6 : i32
    %dma_start3A_255 = arith.constant 1 : i32
    %dma_start3A_256 = arith.constant 1 : i32
    %dma_start3A_257 = arith.constant 0 : i32
    %dma_start3A_258 = arith.constant 0 : i32
    %dma_start3A_259 = tpu.memref_slice %arg6[%dma_start3A_255, %dma_start3A_257, %dma_start3A_258] : memref<5x128x128xf32, #tpu.memory_space<vmem>> -> memref<1x128x128xf32, #tpu.memory_space<vmem>>
    %dma_start3A_260 = tpu.memref_squeeze %dma_start3A_259 : memref<1x128x128xf32, #tpu.memory_space<vmem>> -> memref<128x128xf32, #tpu.memory_space<vmem>>
    %dma_start3A_261 = arith.constant 0 : i32
    %dma_start3A_262 = tpu.memref_slice %arg5[%dma_start3A_254, %dma_start3A_261] : memref<50x128xi32, #tpu.memory_space<vmem>> -> memref<1x128xi32, #tpu.memory_space<vmem>>
    %dma_start3A_263 = tpu.memref_squeeze %dma_start3A_262 : memref<1x128xi32, #tpu.memory_space<vmem>> -> memref<128xi32, #tpu.memory_space<vmem>>
    %dma_start3A_264 = arith.constant 0 : i32
    %dma_start3A_265 = arith.constant 0 : i32
    %dma_start3A_266 = tpu.memref_slice %arg7[%dma_start3A_264, %dma_start3A_265] : memref<3000x128xf32, #tpu.memory_space<vmem_shared>> -> memref<3000x128xf32, #tpu.memory_space<vmem_shared>>
    %dma_start3A_267 = tpu.memref_slice %arg8[%dma_start3A_256] : memref<5x!tpu.dma_semaphore, #tpu.memory_space<semaphore_mem>> -> memref<1x!tpu.dma_semaphore, #tpu.memory_space<semaphore_mem>>
    %dma_start3A_268 = tpu.memref_squeeze %dma_start3A_267 : memref<1x!tpu.dma_semaphore, #tpu.memory_space<semaphore_mem>> -> memref<!tpu.dma_semaphore, #tpu.memory_space<semaphore_mem>>
    tpu.enqueue_indirect_dma source(%dma_start3A_266 : memref<3000x128xf32, #tpu.memory_space<vmem_shared>>) target(%dma_start3A_260 : memref<128x128xf32, #tpu.memory_space<vmem>>) offsets(%dma_start3A_263 : memref<128xi32, #tpu.memory_space<vmem>>) semaphore(%dma_start3A_268 : memref<!tpu.dma_semaphore, #tpu.memory_space<semaphore_mem>>)
    %dma_wait3A_269 = arith.constant 3 : i32
    %dma_wait3A_270 = arith.constant 3 : i32
    %dma_wait3A_271 = arith.constant 3 : i32
    %dma_wait3A_272 = arith.constant 0 : i32
    %dma_wait3A_273 = arith.constant 0 : i32
    %dma_wait3A_274 = tpu.memref_slice %arg6[%dma_wait3A_270, %dma_wait3A_272, %dma_wait3A_273] : memref<5x128x128xf32, #tpu.memory_space<vmem>> -> memref<1x128x128xf32, #tpu.memory_space<vmem>>
    %dma_wait3A_275 = tpu.memref_squeeze %dma_wait3A_274 : memref<1x128x128xf32, #tpu.memory_space<vmem>> -> memref<128x128xf32, #tpu.memory_space<vmem>>
    %dma_wait3A_276 = arith.constant 0 : i32
    %dma_wait3A_277 = tpu.memref_slice %arg5[%dma_wait3A_269, %dma_wait3A_276] : memref<50x128xi32, #tpu.memory_space<vmem>> -> memref<1x128xi32, #tpu.memory_space<vmem>>
    %dma_wait3A_278 = tpu.memref_squeeze %dma_wait3A_277 : memref<1x128xi32, #tpu.memory_space<vmem>> -> memref<128xi32, #tpu.memory_space<vmem>>
    %dma_wait3A_279 = arith.constant 0 : i32
    %dma_wait3A_280 = arith.constant 0 : i32
    %dma_wait3A_281 = tpu.memref_slice %arg7[%dma_wait3A_279, %dma_wait3A_280] : memref<3000x128xf32, #tpu.memory_space<vmem_shared>> -> memref<3000x128xf32, #tpu.memory_space<vmem_shared>>
    %dma_wait3A_282 = tpu.memref_slice %arg8[%dma_wait3A_271] : memref<5x!tpu.dma_semaphore, #tpu.memory_space<semaphore_mem>> -> memref<1x!tpu.dma_semaphore, #tpu.memory_space<semaphore_mem>>
    %dma_wait3A_283 = tpu.memref_squeeze %dma_wait3A_282 : memref<1x!tpu.dma_semaphore, #tpu.memory_space<semaphore_mem>> -> memref<!tpu.dma_semaphore, #tpu.memory_space<semaphore_mem>>
    tpu.wait_indirect_dma semaphore(%dma_wait3A_283 : memref<!tpu.dma_semaphore, #tpu.memory_space<semaphore_mem>>) src(%dma_wait3A_281 : memref<3000x128xf32, #tpu.memory_space<vmem_shared>>) dst(%dma_wait3A_275 : memref<128x128xf32, #tpu.memory_space<vmem>>)
    %add3A_284 = arith.constant 384 : i32
    %add3A_285 = arith.addi %mul3A_2, %add3A_284 : i32
    %dma_start3A_286 = arith.constant 3 : i32
    %dma_start3A_287 = arith.constant 3 : i32
    %dma_start3A_288 = arith.constant 0 : i32
    %dma_start3A_289 = arith.constant 0 : i32
    %dma_start3A_290 = tpu.memref_slice %arg6[%dma_start3A_286, %dma_start3A_288, %dma_start3A_289] : memref<5x128x128xf32, #tpu.memory_space<vmem>> -> memref<1x128x128xf32, #tpu.memory_space<vmem>>
    %dma_start3A_291 = tpu.memref_squeeze %dma_start3A_290 : memref<1x128x128xf32, #tpu.memory_space<vmem>> -> memref<128x128xf32, #tpu.memory_space<vmem>>
    %dma_start3A_292 = arith.constant 0 : i32
    %dma_start3A_293 = tpu.memref_slice %arg4[%add3A_285, %dma_start3A_292] : memref<204800x128xf32, #tpu.memory_space<hbm>> -> memref<128x128xf32, #tpu.memory_space<hbm>>
    %dma_start3A_294 = tpu.memref_slice %arg9[%dma_start3A_287] : memref<5x!tpu.dma_semaphore, #tpu.memory_space<semaphore_mem>> -> memref<1x!tpu.dma_semaphore, #tpu.memory_space<semaphore_mem>>
    %dma_start3A_295 = tpu.memref_squeeze %dma_start3A_294 : memref<1x!tpu.dma_semaphore, #tpu.memory_space<semaphore_mem>> -> memref<!tpu.dma_semaphore, #tpu.memory_space<semaphore_mem>>
    %dma_start3A_296 = arith.constant 0 : i32
    %dma_start3A_297 = tpu.memref_slice %arg4[%add3A_285, %dma_start3A_296] : memref<204800x128xf32, #tpu.memory_space<hbm>> -> memref<128x128xf32, #tpu.memory_space<hbm>>
    %dma_start3A_298 = arith.constant 0 : i32
    %dma_start3A_299 = arith.constant 0 : i32
    %dma_start3A_300 = tpu.memref_slice %arg6[%dma_start3A_286, %dma_start3A_298, %dma_start3A_299] : memref<5x128x128xf32, #tpu.memory_space<vmem>> -> memref<1x128x128xf32, #tpu.memory_space<vmem>>
    %dma_start3A_301 = tpu.memref_squeeze %dma_start3A_300 : memref<1x128x128xf32, #tpu.memory_space<vmem>> -> memref<128x128xf32, #tpu.memory_space<vmem>>
    tpu.enqueue_dma source(%dma_start3A_301 : memref<128x128xf32, #tpu.memory_space<vmem>>) target(%dma_start3A_297 : memref<128x128xf32, #tpu.memory_space<hbm>>) target_semaphore(%dma_start3A_295 : memref<!tpu.dma_semaphore, #tpu.memory_space<semaphore_mem>>)
    %add3A_302 = arith.constant 256 : i32
    %add3A_303 = arith.addi %mul3A_2, %add3A_302 : i32
    %dma_wait3A_304 = arith.constant 2 : i32
    %dma_wait3A_305 = arith.constant 2 : i32
    %dma_wait3A_306 = arith.constant 0 : i32
    %dma_wait3A_307 = arith.constant 0 : i32
    %dma_wait3A_308 = tpu.memref_slice %arg6[%dma_wait3A_304, %dma_wait3A_306, %dma_wait3A_307] : memref<5x128x128xf32, #tpu.memory_space<vmem>> -> memref<1x128x128xf32, #tpu.memory_space<vmem>>
    %dma_wait3A_309 = tpu.memref_squeeze %dma_wait3A_308 : memref<1x128x128xf32, #tpu.memory_space<vmem>> -> memref<128x128xf32, #tpu.memory_space<vmem>>
    %dma_wait3A_310 = arith.constant 0 : i32
    %dma_wait3A_311 = tpu.memref_slice %arg4[%add3A_303, %dma_wait3A_310] : memref<204800x128xf32, #tpu.memory_space<hbm>> -> memref<128x128xf32, #tpu.memory_space<hbm>>
    %dma_wait3A_312 = tpu.memref_slice %arg9[%dma_wait3A_305] : memref<5x!tpu.dma_semaphore, #tpu.memory_space<semaphore_mem>> -> memref<1x!tpu.dma_semaphore, #tpu.memory_space<semaphore_mem>>
    %dma_wait3A_313 = tpu.memref_squeeze %dma_wait3A_312 : memref<1x!tpu.dma_semaphore, #tpu.memory_space<semaphore_mem>> -> memref<!tpu.dma_semaphore, #tpu.memory_space<semaphore_mem>>
    %dma_wait3A_314 = arith.constant 0 : i32
    %dma_wait3A_315 = tpu.memref_slice %arg4[%add3A_303, %dma_wait3A_314] : memref<204800x128xf32, #tpu.memory_space<hbm>> -> memref<128x128xf32, #tpu.memory_space<hbm>>
    %dma_wait3A_316 = arith.constant 0 : i32
    %dma_wait3A_317 = arith.constant 0 : i32
    %dma_wait3A_318 = tpu.memref_slice %arg6[%dma_wait3A_304, %dma_wait3A_316, %dma_wait3A_317] : memref<5x128x128xf32, #tpu.memory_space<vmem>> -> memref<1x128x128xf32, #tpu.memory_space<vmem>>
    %dma_wait3A_319 = tpu.memref_squeeze %dma_wait3A_318 : memref<1x128x128xf32, #tpu.memory_space<vmem>> -> memref<128x128xf32, #tpu.memory_space<vmem>>
    tpu.wait_dma2 semaphore(%dma_wait3A_313 : memref<!tpu.dma_semaphore, #tpu.memory_space<semaphore_mem>>) src(%dma_wait3A_319 : memref<128x128xf32, #tpu.memory_space<vmem>>) dst(%dma_wait3A_315 : memref<128x128xf32, #tpu.memory_space<hbm>>)
    %dma_start3A_320 = arith.constant 7 : i32
    %dma_start3A_321 = arith.constant 2 : i32
    %dma_start3A_322 = arith.constant 2 : i32
    %dma_start3A_323 = arith.constant 0 : i32
    %dma_start3A_324 = arith.constant 0 : i32
    %dma_start3A_325 = tpu.memref_slice %arg6[%dma_start3A_321, %dma_start3A_323, %dma_start3A_324] : memref<5x128x128xf32, #tpu.memory_space<vmem>> -> memref<1x128x128xf32, #tpu.memory_space<vmem>>
    %dma_start3A_326 = tpu.memref_squeeze %dma_start3A_325 : memref<1x128x128xf32, #tpu.memory_space<vmem>> -> memref<128x128xf32, #tpu.memory_space<vmem>>
    %dma_start3A_327 = arith.constant 0 : i32
    %dma_start3A_328 = tpu.memref_slice %arg5[%dma_start3A_320, %dma_start3A_327] : memref<50x128xi32, #tpu.memory_space<vmem>> -> memref<1x128xi32, #tpu.memory_space<vmem>>
    %dma_start3A_329 = tpu.memref_squeeze %dma_start3A_328 : memref<1x128xi32, #tpu.memory_space<vmem>> -> memref<128xi32, #tpu.memory_space<vmem>>
    %dma_start3A_330 = arith.constant 0 : i32
    %dma_start3A_331 = arith.constant 0 : i32
    %dma_start3A_332 = tpu.memref_slice %arg7[%dma_start3A_330, %dma_start3A_331] : memref<3000x128xf32, #tpu.memory_space<vmem_shared>> -> memref<3000x128xf32, #tpu.memory_space<vmem_shared>>
    %dma_start3A_333 = tpu.memref_slice %arg8[%dma_start3A_322] : memref<5x!tpu.dma_semaphore, #tpu.memory_space<semaphore_mem>> -> memref<1x!tpu.dma_semaphore, #tpu.memory_space<semaphore_mem>>
    %dma_start3A_334 = tpu.memref_squeeze %dma_start3A_333 : memref<1x!tpu.dma_semaphore, #tpu.memory_space<semaphore_mem>> -> memref<!tpu.dma_semaphore, #tpu.memory_space<semaphore_mem>>
    tpu.enqueue_indirect_dma source(%dma_start3A_332 : memref<3000x128xf32, #tpu.memory_space<vmem_shared>>) target(%dma_start3A_326 : memref<128x128xf32, #tpu.memory_space<vmem>>) offsets(%dma_start3A_329 : memref<128xi32, #tpu.memory_space<vmem>>) semaphore(%dma_start3A_334 : memref<!tpu.dma_semaphore, #tpu.memory_space<semaphore_mem>>)
    %dma_wait3A_335 = arith.constant 4 : i32
    %dma_wait3A_336 = arith.constant 4 : i32
    %dma_wait3A_337 = arith.constant 4 : i32
    %dma_wait3A_338 = arith.constant 0 : i32
    %dma_wait3A_339 = arith.constant 0 : i32
    %dma_wait3A_340 = tpu.memref_slice %arg6[%dma_wait3A_336, %dma_wait3A_338, %dma_wait3A_339] : memref<5x128x128xf32, #tpu.memory_space<vmem>> -> memref<1x128x128xf32, #tpu.memory_space<vmem>>
    %dma_wait3A_341 = tpu.memref_squeeze %dma_wait3A_340 : memref<1x128x128xf32, #tpu.memory_space<vmem>> -> memref<128x128xf32, #tpu.memory_space<vmem>>
    %dma_wait3A_342 = arith.constant 0 : i32
    %dma_wait3A_343 = tpu.memref_slice %arg5[%dma_wait3A_335, %dma_wait3A_342] : memref<50x128xi32, #tpu.memory_space<vmem>> -> memref<1x128xi32, #tpu.memory_space<vmem>>
    %dma_wait3A_344 = tpu.memref_squeeze %dma_wait3A_343 : memref<1x128xi32, #tpu.memory_space<vmem>> -> memref<128xi32, #tpu.memory_space<vmem>>
    %dma_wait3A_345 = arith.constant 0 : i32
    %dma_wait3A_346 = arith.constant 0 : i32
    %dma_wait3A_347 = tpu.memref_slice %arg7[%dma_wait3A_345, %dma_wait3A_346] : memref<3000x128xf32, #tpu.memory_space<vmem_shared>> -> memref<3000x128xf32, #tpu.memory_space<vmem_shared>>
    %dma_wait3A_348 = tpu.memref_slice %arg8[%dma_wait3A_337] : memref<5x!tpu.dma_semaphore, #tpu.memory_space<semaphore_mem>> -> memref<1x!tpu.dma_semaphore, #tpu.memory_space<semaphore_mem>>
    %dma_wait3A_349 = tpu.memref_squeeze %dma_wait3A_348 : memref<1x!tpu.dma_semaphore, #tpu.memory_space<semaphore_mem>> -> memref<!tpu.dma_semaphore, #tpu.memory_space<semaphore_mem>>
    tpu.wait_indirect_dma semaphore(%dma_wait3A_349 : memref<!tpu.dma_semaphore, #tpu.memory_space<semaphore_mem>>) src(%dma_wait3A_347 : memref<3000x128xf32, #tpu.memory_space<vmem_shared>>) dst(%dma_wait3A_341 : memref<128x128xf32, #tpu.memory_space<vmem>>)
    %add3A_350 = arith.constant 512 : i32
    %add3A_351 = arith.addi %mul3A_2, %add3A_350 : i32
    %dma_start3A_352 = arith.constant 4 : i32
    %dma_start3A_353 = arith.constant 4 : i32
    %dma_start3A_354 = arith.constant 0 : i32
    %dma_start3A_355 = arith.constant 0 : i32
    %dma_start3A_356 = tpu.memref_slice %arg6[%dma_start3A_352, %dma_start3A_354, %dma_start3A_355] : memref<5x128x128xf32, #tpu.memory_space<vmem>> -> memref<1x128x128xf32, #tpu.memory_space<vmem>>
    %dma_start3A_357 = tpu.memref_squeeze %dma_start3A_356 : memref<1x128x128xf32, #tpu.memory_space<vmem>> -> memref<128x128xf32, #tpu.memory_space<vmem>>
    %dma_start3A_358 = arith.constant 0 : i32
    %dma_start3A_359 = tpu.memref_slice %arg4[%add3A_351, %dma_start3A_358] : memref<204800x128xf32, #tpu.memory_space<hbm>> -> memref<128x128xf32, #tpu.memory_space<hbm>>
    %dma_start3A_360 = tpu.memref_slice %arg9[%dma_start3A_353] : memref<5x!tpu.dma_semaphore, #tpu.memory_space<semaphore_mem>> -> memref<1x!tpu.dma_semaphore, #tpu.memory_space<semaphore_mem>>
    %dma_start3A_361 = tpu.memref_squeeze %dma_start3A_360 : memref<1x!tpu.dma_semaphore, #tpu.memory_space<semaphore_mem>> -> memref<!tpu.dma_semaphore, #tpu.memory_space<semaphore_mem>>
    %dma_start3A_362 = arith.constant 0 : i32
    %dma_start3A_363 = tpu.memref_slice %arg4[%add3A_351, %dma_start3A_362] : memref<204800x128xf32, #tpu.memory_space<hbm>> -> memref<128x128xf32, #tpu.memory_space<hbm>>
    %dma_start3A_364 = arith.constant 0 : i32
    %dma_start3A_365 = arith.constant 0 : i32
    %dma_start3A_366 = tpu.memref_slice %arg6[%dma_start3A_352, %dma_start3A_364, %dma_start3A_365] : memref<5x128x128xf32, #tpu.memory_space<vmem>> -> memref<1x128x128xf32, #tpu.memory_space<vmem>>
    %dma_start3A_367 = tpu.memref_squeeze %dma_start3A_366 : memref<1x128x128xf32, #tpu.memory_space<vmem>> -> memref<128x128xf32, #tpu.memory_space<vmem>>
    tpu.enqueue_dma source(%dma_start3A_367 : memref<128x128xf32, #tpu.memory_space<vmem>>) target(%dma_start3A_363 : memref<128x128xf32, #tpu.memory_space<hbm>>) target_semaphore(%dma_start3A_361 : memref<!tpu.dma_semaphore, #tpu.memory_space<semaphore_mem>>)
    %add3A_368 = arith.constant 384 : i32
    %add3A_369 = arith.addi %mul3A_2, %add3A_368 : i32
    %dma_wait3A_370 = arith.constant 3 : i32
    %dma_wait3A_371 = arith.constant 3 : i32
    %dma_wait3A_372 = arith.constant 0 : i32
    %dma_wait3A_373 = arith.constant 0 : i32
    %dma_wait3A_374 = tpu.memref_slice %arg6[%dma_wait3A_370, %dma_wait3A_372, %dma_wait3A_373] : memref<5x128x128xf32, #tpu.memory_space<vmem>> -> memref<1x128x128xf32, #tpu.memory_space<vmem>>
    %dma_wait3A_375 = tpu.memref_squeeze %dma_wait3A_374 : memref<1x128x128xf32, #tpu.memory_space<vmem>> -> memref<128x128xf32, #tpu.memory_space<vmem>>
    %dma_wait3A_376 = arith.constant 0 : i32
    %dma_wait3A_377 = tpu.memref_slice %arg4[%add3A_369, %dma_wait3A_376] : memref<204800x128xf32, #tpu.memory_space<hbm>> -> memref<128x128xf32, #tpu.memory_space<hbm>>
    %dma_wait3A_378 = tpu.memref_slice %arg9[%dma_wait3A_371] : memref<5x!tpu.dma_semaphore, #tpu.memory_space<semaphore_mem>> -> memref<1x!tpu.dma_semaphore, #tpu.memory_space<semaphore_mem>>
    %dma_wait3A_379 = tpu.memref_squeeze %dma_wait3A_378 : memref<1x!tpu.dma_semaphore, #tpu.memory_space<semaphore_mem>> -> memref<!tpu.dma_semaphore, #tpu.memory_space<semaphore_mem>>
    %dma_wait3A_380 = arith.constant 0 : i32
    %dma_wait3A_381 = tpu.memref_slice %arg4[%add3A_369, %dma_wait3A_380] : memref<204800x128xf32, #tpu.memory_space<hbm>> -> memref<128x128xf32, #tpu.memory_space<hbm>>
    %dma_wait3A_382 = arith.constant 0 : i32
    %dma_wait3A_383 = arith.constant 0 : i32
    %dma_wait3A_384 = tpu.memref_slice %arg6[%dma_wait3A_370, %dma_wait3A_382, %dma_wait3A_383] : memref<5x128x128xf32, #tpu.memory_space<vmem>> -> memref<1x128x128xf32, #tpu.memory_space<vmem>>
    %dma_wait3A_385 = tpu.memref_squeeze %dma_wait3A_384 : memref<1x128x128xf32, #tpu.memory_space<vmem>> -> memref<128x128xf32, #tpu.memory_space<vmem>>
    tpu.wait_dma2 semaphore(%dma_wait3A_379 : memref<!tpu.dma_semaphore, #tpu.memory_space<semaphore_mem>>) src(%dma_wait3A_385 : memref<128x128xf32, #tpu.memory_space<vmem>>) dst(%dma_wait3A_381 : memref<128x128xf32, #tpu.memory_space<hbm>>)
    %dma_start3A_386 = arith.constant 8 : i32
    %dma_start3A_387 = arith.constant 3 : i32
    %dma_start3A_388 = arith.constant 3 : i32
    %dma_start3A_389 = arith.constant 0 : i32
    %dma_start3A_390 = arith.constant 0 : i32
    %dma_start3A_391 = tpu.memref_slice %arg6[%dma_start3A_387, %dma_start3A_389, %dma_start3A_390] : memref<5x128x128xf32, #tpu.memory_space<vmem>> -> memref<1x128x128xf32, #tpu.memory_space<vmem>>
    %dma_start3A_392 = tpu.memref_squeeze %dma_start3A_391 : memref<1x128x128xf32, #tpu.memory_space<vmem>> -> memref<128x128xf32, #tpu.memory_space<vmem>>
    %dma_start3A_393 = arith.constant 0 : i32
    %dma_start3A_394 = tpu.memref_slice %arg5[%dma_start3A_386, %dma_start3A_393] : memref<50x128xi32, #tpu.memory_space<vmem>> -> memref<1x128xi32, #tpu.memory_space<vmem>>
    %dma_start3A_395 = tpu.memref_squeeze %dma_start3A_394 : memref<1x128xi32, #tpu.memory_space<vmem>> -> memref<128xi32, #tpu.memory_space<vmem>>
    %dma_start3A_396 = arith.constant 0 : i32
    %dma_start3A_397 = arith.constant 0 : i32
    %dma_start3A_398 = tpu.memref_slice %arg7[%dma_start3A_396, %dma_start3A_397] : memref<3000x128xf32, #tpu.memory_space<vmem_shared>> -> memref<3000x128xf32, #tpu.memory_space<vmem_shared>>
    %dma_start3A_399 = tpu.memref_slice %arg8[%dma_start3A_388] : memref<5x!tpu.dma_semaphore, #tpu.memory_space<semaphore_mem>> -> memref<1x!tpu.dma_semaphore, #tpu.memory_space<semaphore_mem>>
    %dma_start3A_400 = tpu.memref_squeeze %dma_start3A_399 : memref<1x!tpu.dma_semaphore, #tpu.memory_space<semaphore_mem>> -> memref<!tpu.dma_semaphore, #tpu.memory_space<semaphore_mem>>
    tpu.enqueue_indirect_dma source(%dma_start3A_398 : memref<3000x128xf32, #tpu.memory_space<vmem_shared>>) target(%dma_start3A_392 : memref<128x128xf32, #tpu.memory_space<vmem>>) offsets(%dma_start3A_395 : memref<128xi32, #tpu.memory_space<vmem>>) semaphore(%dma_start3A_400 : memref<!tpu.dma_semaphore, #tpu.memory_space<semaphore_mem>>)
    %scan3A = arith.constant 0 : i32
    %scan3A_401 = arith.constant 1 : i32
    %scan3A_402 = arith.constant 8 : i32
    %scan3A_403 = arith.addi %scan3A_401, %scan3A_402 : i32
    %scan3A_404 = arith.constant 1 : i32
    %scan3A_405 = scf.for %scan3A_695 = %scan3A_401 to %scan3A_403 step %scan3A_404 iter_args(%scan3A_696 = %scan3A) -> (i32)  : i32 {
      %mul3A_697 = arith.constant 5 : i32
      %mul3A_698 = arith.muli %scan3A_695, %mul3A_697 : i32
      %add3A_699 = arith.constant 0 : i32
      %add3A_700 = arith.addi %mul3A_698, %add3A_699 : i32
      %dma_wait3A_701 = arith.constant 0 : i32
      %dma_wait3A_702 = arith.constant 0 : i32
      %dma_wait3A_703 = arith.constant 0 : i32
      %dma_wait3A_704 = arith.constant 0 : i32
      %dma_wait3A_705 = tpu.memref_slice %arg6[%dma_wait3A_701, %dma_wait3A_703, %dma_wait3A_704] : memref<5x128x128xf32, #tpu.memory_space<vmem>> -> memref<1x128x128xf32, #tpu.memory_space<vmem>>
      %dma_wait3A_706 = tpu.memref_squeeze %dma_wait3A_705 : memref<1x128x128xf32, #tpu.memory_space<vmem>> -> memref<128x128xf32, #tpu.memory_space<vmem>>
      %dma_wait3A_707 = arith.constant 0 : i32
      %dma_wait3A_708 = tpu.memref_slice %arg5[%add3A_700, %dma_wait3A_707] : memref<50x128xi32, #tpu.memory_space<vmem>> -> memref<1x128xi32, #tpu.memory_space<vmem>>
      %dma_wait3A_709 = tpu.memref_squeeze %dma_wait3A_708 : memref<1x128xi32, #tpu.memory_space<vmem>> -> memref<128xi32, #tpu.memory_space<vmem>>
      %dma_wait3A_710 = arith.constant 0 : i32
      %dma_wait3A_711 = arith.constant 0 : i32
      %dma_wait3A_712 = tpu.memref_slice %arg7[%dma_wait3A_710, %dma_wait3A_711] : memref<3000x128xf32, #tpu.memory_space<vmem_shared>> -> memref<3000x128xf32, #tpu.memory_space<vmem_shared>>
      %dma_wait3A_713 = tpu.memref_slice %arg8[%dma_wait3A_702] : memref<5x!tpu.dma_semaphore, #tpu.memory_space<semaphore_mem>> -> memref<1x!tpu.dma_semaphore, #tpu.memory_space<semaphore_mem>>
      %dma_wait3A_714 = tpu.memref_squeeze %dma_wait3A_713 : memref<1x!tpu.dma_semaphore, #tpu.memory_space<semaphore_mem>> -> memref<!tpu.dma_semaphore, #tpu.memory_space<semaphore_mem>>
      tpu.wait_indirect_dma semaphore(%dma_wait3A_714 : memref<!tpu.dma_semaphore, #tpu.memory_space<semaphore_mem>>) src(%dma_wait3A_712 : memref<3000x128xf32, #tpu.memory_space<vmem_shared>>) dst(%dma_wait3A_706 : memref<128x128xf32, #tpu.memory_space<vmem>>)
      %mul3A_715 = arith.constant 128 : i32
      %mul3A_716 = arith.muli %add3A_700, %mul3A_715 : i32
      %add3A_717 = arith.addi %mul3A_2, %mul3A_716 : i32
      %dma_start3A_718 = arith.constant 0 : i32
      %dma_start3A_719 = arith.constant 0 : i32
      %dma_start3A_720 = arith.constant 0 : i32
      %dma_start3A_721 = arith.constant 0 : i32
      %dma_start3A_722 = tpu.memref_slice %arg6[%dma_start3A_718, %dma_start3A_720, %dma_start3A_721] : memref<5x128x128xf32, #tpu.memory_space<vmem>> -> memref<1x128x128xf32, #tpu.memory_space<vmem>>
      %dma_start3A_723 = tpu.memref_squeeze %dma_start3A_722 : memref<1x128x128xf32, #tpu.memory_space<vmem>> -> memref<128x128xf32, #tpu.memory_space<vmem>>
      %dma_start3A_724 = arith.constant 0 : i32
      %dma_start3A_725 = tpu.memref_slice %arg4[%add3A_717, %dma_start3A_724] : memref<204800x128xf32, #tpu.memory_space<hbm>> -> memref<128x128xf32, #tpu.memory_space<hbm>>
      %dma_start3A_726 = tpu.memref_slice %arg9[%dma_start3A_719] : memref<5x!tpu.dma_semaphore, #tpu.memory_space<semaphore_mem>> -> memref<1x!tpu.dma_semaphore, #tpu.memory_space<semaphore_mem>>
      %dma_start3A_727 = tpu.memref_squeeze %dma_start3A_726 : memref<1x!tpu.dma_semaphore, #tpu.memory_space<semaphore_mem>> -> memref<!tpu.dma_semaphore, #tpu.memory_space<semaphore_mem>>
      %dma_start3A_728 = arith.constant 0 : i32
      %dma_start3A_729 = tpu.memref_slice %arg4[%add3A_717, %dma_start3A_728] : memref<204800x128xf32, #tpu.memory_space<hbm>> -> memref<128x128xf32, #tpu.memory_space<hbm>>
      %dma_start3A_730 = arith.constant 0 : i32
      %dma_start3A_731 = arith.constant 0 : i32
      %dma_start3A_732 = tpu.memref_slice %arg6[%dma_start3A_718, %dma_start3A_730, %dma_start3A_731] : memref<5x128x128xf32, #tpu.memory_space<vmem>> -> memref<1x128x128xf32, #tpu.memory_space<vmem>>
      %dma_start3A_733 = tpu.memref_squeeze %dma_start3A_732 : memref<1x128x128xf32, #tpu.memory_space<vmem>> -> memref<128x128xf32, #tpu.memory_space<vmem>>
      tpu.enqueue_dma source(%dma_start3A_733 : memref<128x128xf32, #tpu.memory_space<vmem>>) target(%dma_start3A_729 : memref<128x128xf32, #tpu.memory_space<hbm>>) target_semaphore(%dma_start3A_727 : memref<!tpu.dma_semaphore, #tpu.memory_space<semaphore_mem>>)
      %sub3A = arith.constant 1 : i32
      %sub3A_734 = arith.subi %add3A_700, %sub3A : i32
      %mul3A_735 = arith.constant 128 : i32
      %mul3A_736 = arith.muli %sub3A_734, %mul3A_735 : i32
      %add3A_737 = arith.addi %mul3A_2, %mul3A_736 : i32
      %dma_wait3A_738 = arith.constant 4 : i32
      %dma_wait3A_739 = arith.constant 4 : i32
      %dma_wait3A_740 = arith.constant 0 : i32
      %dma_wait3A_741 = arith.constant 0 : i32
      %dma_wait3A_742 = tpu.memref_slice %arg6[%dma_wait3A_738, %dma_wait3A_740, %dma_wait3A_741] : memref<5x128x128xf32, #tpu.memory_space<vmem>> -> memref<1x128x128xf32, #tpu.memory_space<vmem>>
      %dma_wait3A_743 = tpu.memref_squeeze %dma_wait3A_742 : memref<1x128x128xf32, #tpu.memory_space<vmem>> -> memref<128x128xf32, #tpu.memory_space<vmem>>
      %dma_wait3A_744 = arith.constant 0 : i32
      %dma_wait3A_745 = tpu.memref_slice %arg4[%add3A_737, %dma_wait3A_744] : memref<204800x128xf32, #tpu.memory_space<hbm>> -> memref<128x128xf32, #tpu.memory_space<hbm>>
      %dma_wait3A_746 = tpu.memref_slice %arg9[%dma_wait3A_739] : memref<5x!tpu.dma_semaphore, #tpu.memory_space<semaphore_mem>> -> memref<1x!tpu.dma_semaphore, #tpu.memory_space<semaphore_mem>>
      %dma_wait3A_747 = tpu.memref_squeeze %dma_wait3A_746 : memref<1x!tpu.dma_semaphore, #tpu.memory_space<semaphore_mem>> -> memref<!tpu.dma_semaphore, #tpu.memory_space<semaphore_mem>>
      %dma_wait3A_748 = arith.constant 0 : i32
      %dma_wait3A_749 = tpu.memref_slice %arg4[%add3A_737, %dma_wait3A_748] : memref<204800x128xf32, #tpu.memory_space<hbm>> -> memref<128x128xf32, #tpu.memory_space<hbm>>
      %dma_wait3A_750 = arith.constant 0 : i32
      %dma_wait3A_751 = arith.constant 0 : i32
      %dma_wait3A_752 = tpu.memref_slice %arg6[%dma_wait3A_738, %dma_wait3A_750, %dma_wait3A_751] : memref<5x128x128xf32, #tpu.memory_space<vmem>> -> memref<1x128x128xf32, #tpu.memory_space<vmem>>
      %dma_wait3A_753 = tpu.memref_squeeze %dma_wait3A_752 : memref<1x128x128xf32, #tpu.memory_space<vmem>> -> memref<128x128xf32, #tpu.memory_space<vmem>>
      tpu.wait_dma2 semaphore(%dma_wait3A_747 : memref<!tpu.dma_semaphore, #tpu.memory_space<semaphore_mem>>) src(%dma_wait3A_753 : memref<128x128xf32, #tpu.memory_space<vmem>>) dst(%dma_wait3A_749 : memref<128x128xf32, #tpu.memory_space<hbm>>)
      %add3A_754 = arith.constant 4 : i32
      %add3A_755 = arith.addi %add3A_700, %add3A_754 : i32
      %dma_start3A_756 = arith.constant 4 : i32
      %dma_start3A_757 = arith.constant 4 : i32
      %dma_start3A_758 = arith.constant 0 : i32
      %dma_start3A_759 = arith.constant 0 : i32
      %dma_start3A_760 = tpu.memref_slice %arg6[%dma_start3A_756, %dma_start3A_758, %dma_start3A_759] : memref<5x128x128xf32, #tpu.memory_space<vmem>> -> memref<1x128x128xf32, #tpu.memory_space<vmem>>
      %dma_start3A_761 = tpu.memref_squeeze %dma_start3A_760 : memref<1x128x128xf32, #tpu.memory_space<vmem>> -> memref<128x128xf32, #tpu.memory_space<vmem>>
      %dma_start3A_762 = arith.constant 0 : i32
      %dma_start3A_763 = tpu.memref_slice %arg5[%add3A_755, %dma_start3A_762] : memref<50x128xi32, #tpu.memory_space<vmem>> -> memref<1x128xi32, #tpu.memory_space<vmem>>
      %dma_start3A_764 = tpu.memref_squeeze %dma_start3A_763 : memref<1x128xi32, #tpu.memory_space<vmem>> -> memref<128xi32, #tpu.memory_space<vmem>>
      %dma_start3A_765 = arith.constant 0 : i32
      %dma_start3A_766 = arith.constant 0 : i32
      %dma_start3A_767 = tpu.memref_slice %arg7[%dma_start3A_765, %dma_start3A_766] : memref<3000x128xf32, #tpu.memory_space<vmem_shared>> -> memref<3000x128xf32, #tpu.memory_space<vmem_shared>>
      %dma_start3A_768 = tpu.memref_slice %arg8[%dma_start3A_757] : memref<5x!tpu.dma_semaphore, #tpu.memory_space<semaphore_mem>> -> memref<1x!tpu.dma_semaphore, #tpu.memory_space<semaphore_mem>>
      %dma_start3A_769 = tpu.memref_squeeze %dma_start3A_768 : memref<1x!tpu.dma_semaphore, #tpu.memory_space<semaphore_mem>> -> memref<!tpu.dma_semaphore, #tpu.memory_space<semaphore_mem>>
      tpu.enqueue_indirect_dma source(%dma_start3A_767 : memref<3000x128xf32, #tpu.memory_space<vmem_shared>>) target(%dma_start3A_761 : memref<128x128xf32, #tpu.memory_space<vmem>>) offsets(%dma_start3A_764 : memref<128xi32, #tpu.memory_space<vmem>>) semaphore(%dma_start3A_769 : memref<!tpu.dma_semaphore, #tpu.memory_space<semaphore_mem>>)
      %mul3A_770 = arith.constant 5 : i32
      %mul3A_771 = arith.muli %scan3A_695, %mul3A_770 : i32
      %add3A_772 = arith.constant 1 : i32
      %add3A_773 = arith.addi %mul3A_771, %add3A_772 : i32
      %dma_wait3A_774 = arith.constant 1 : i32
      %dma_wait3A_775 = arith.constant 1 : i32
      %dma_wait3A_776 = arith.constant 0 : i32
      %dma_wait3A_777 = arith.constant 0 : i32
      %dma_wait3A_778 = tpu.memref_slice %arg6[%dma_wait3A_774, %dma_wait3A_776, %dma_wait3A_777] : memref<5x128x128xf32, #tpu.memory_space<vmem>> -> memref<1x128x128xf32, #tpu.memory_space<vmem>>
      %dma_wait3A_779 = tpu.memref_squeeze %dma_wait3A_778 : memref<1x128x128xf32, #tpu.memory_space<vmem>> -> memref<128x128xf32, #tpu.memory_space<vmem>>
      %dma_wait3A_780 = arith.constant 0 : i32
      %dma_wait3A_781 = tpu.memref_slice %arg5[%add3A_773, %dma_wait3A_780] : memref<50x128xi32, #tpu.memory_space<vmem>> -> memref<1x128xi32, #tpu.memory_space<vmem>>
      %dma_wait3A_782 = tpu.memref_squeeze %dma_wait3A_781 : memref<1x128xi32, #tpu.memory_space<vmem>> -> memref<128xi32, #tpu.memory_space<vmem>>
      %dma_wait3A_783 = arith.constant 0 : i32
      %dma_wait3A_784 = arith.constant 0 : i32
      %dma_wait3A_785 = tpu.memref_slice %arg7[%dma_wait3A_783, %dma_wait3A_784] : memref<3000x128xf32, #tpu.memory_space<vmem_shared>> -> memref<3000x128xf32, #tpu.memory_space<vmem_shared>>
      %dma_wait3A_786 = tpu.memref_slice %arg8[%dma_wait3A_775] : memref<5x!tpu.dma_semaphore, #tpu.memory_space<semaphore_mem>> -> memref<1x!tpu.dma_semaphore, #tpu.memory_space<semaphore_mem>>
      %dma_wait3A_787 = tpu.memref_squeeze %dma_wait3A_786 : memref<1x!tpu.dma_semaphore, #tpu.memory_space<semaphore_mem>> -> memref<!tpu.dma_semaphore, #tpu.memory_space<semaphore_mem>>
      tpu.wait_indirect_dma semaphore(%dma_wait3A_787 : memref<!tpu.dma_semaphore, #tpu.memory_space<semaphore_mem>>) src(%dma_wait3A_785 : memref<3000x128xf32, #tpu.memory_space<vmem_shared>>) dst(%dma_wait3A_779 : memref<128x128xf32, #tpu.memory_space<vmem>>)
      %mul3A_788 = arith.constant 128 : i32
      %mul3A_789 = arith.muli %add3A_773, %mul3A_788 : i32
      %add3A_790 = arith.addi %mul3A_2, %mul3A_789 : i32
      %dma_start3A_791 = arith.constant 1 : i32
      %dma_start3A_792 = arith.constant 1 : i32
      %dma_start3A_793 = arith.constant 0 : i32
      %dma_start3A_794 = arith.constant 0 : i32
      %dma_start3A_795 = tpu.memref_slice %arg6[%dma_start3A_791, %dma_start3A_793, %dma_start3A_794] : memref<5x128x128xf32, #tpu.memory_space<vmem>> -> memref<1x128x128xf32, #tpu.memory_space<vmem>>
      %dma_start3A_796 = tpu.memref_squeeze %dma_start3A_795 : memref<1x128x128xf32, #tpu.memory_space<vmem>> -> memref<128x128xf32, #tpu.memory_space<vmem>>
      %dma_start3A_797 = arith.constant 0 : i32
      %dma_start3A_798 = tpu.memref_slice %arg4[%add3A_790, %dma_start3A_797] : memref<204800x128xf32, #tpu.memory_space<hbm>> -> memref<128x128xf32, #tpu.memory_space<hbm>>
      %dma_start3A_799 = tpu.memref_slice %arg9[%dma_start3A_792] : memref<5x!tpu.dma_semaphore, #tpu.memory_space<semaphore_mem>> -> memref<1x!tpu.dma_semaphore, #tpu.memory_space<semaphore_mem>>
      %dma_start3A_800 = tpu.memref_squeeze %dma_start3A_799 : memref<1x!tpu.dma_semaphore, #tpu.memory_space<semaphore_mem>> -> memref<!tpu.dma_semaphore, #tpu.memory_space<semaphore_mem>>
      %dma_start3A_801 = arith.constant 0 : i32
      %dma_start3A_802 = tpu.memref_slice %arg4[%add3A_790, %dma_start3A_801] : memref<204800x128xf32, #tpu.memory_space<hbm>> -> memref<128x128xf32, #tpu.memory_space<hbm>>
      %dma_start3A_803 = arith.constant 0 : i32
      %dma_start3A_804 = arith.constant 0 : i32
      %dma_start3A_805 = tpu.memref_slice %arg6[%dma_start3A_791, %dma_start3A_803, %dma_start3A_804] : memref<5x128x128xf32, #tpu.memory_space<vmem>> -> memref<1x128x128xf32, #tpu.memory_space<vmem>>
      %dma_start3A_806 = tpu.memref_squeeze %dma_start3A_805 : memref<1x128x128xf32, #tpu.memory_space<vmem>> -> memref<128x128xf32, #tpu.memory_space<vmem>>
      tpu.enqueue_dma source(%dma_start3A_806 : memref<128x128xf32, #tpu.memory_space<vmem>>) target(%dma_start3A_802 : memref<128x128xf32, #tpu.memory_space<hbm>>) target_semaphore(%dma_start3A_800 : memref<!tpu.dma_semaphore, #tpu.memory_space<semaphore_mem>>)
      %sub3A_807 = arith.constant 1 : i32
      %sub3A_808 = arith.subi %add3A_773, %sub3A_807 : i32
      %mul3A_809 = arith.constant 128 : i32
      %mul3A_810 = arith.muli %sub3A_808, %mul3A_809 : i32
      %add3A_811 = arith.addi %mul3A_2, %mul3A_810 : i32
      %dma_wait3A_812 = arith.constant 0 : i32
      %dma_wait3A_813 = arith.constant 0 : i32
      %dma_wait3A_814 = arith.constant 0 : i32
      %dma_wait3A_815 = arith.constant 0 : i32
      %dma_wait3A_816 = tpu.memref_slice %arg6[%dma_wait3A_812, %dma_wait3A_814, %dma_wait3A_815] : memref<5x128x128xf32, #tpu.memory_space<vmem>> -> memref<1x128x128xf32, #tpu.memory_space<vmem>>
      %dma_wait3A_817 = tpu.memref_squeeze %dma_wait3A_816 : memref<1x128x128xf32, #tpu.memory_space<vmem>> -> memref<128x128xf32, #tpu.memory_space<vmem>>
      %dma_wait3A_818 = arith.constant 0 : i32
      %dma_wait3A_819 = tpu.memref_slice %arg4[%add3A_811, %dma_wait3A_818] : memref<204800x128xf32, #tpu.memory_space<hbm>> -> memref<128x128xf32, #tpu.memory_space<hbm>>
      %dma_wait3A_820 = tpu.memref_slice %arg9[%dma_wait3A_813] : memref<5x!tpu.dma_semaphore, #tpu.memory_space<semaphore_mem>> -> memref<1x!tpu.dma_semaphore, #tpu.memory_space<semaphore_mem>>
      %dma_wait3A_821 = tpu.memref_squeeze %dma_wait3A_820 : memref<1x!tpu.dma_semaphore, #tpu.memory_space<semaphore_mem>> -> memref<!tpu.dma_semaphore, #tpu.memory_space<semaphore_mem>>
      %dma_wait3A_822 = arith.constant 0 : i32
      %dma_wait3A_823 = tpu.memref_slice %arg4[%add3A_811, %dma_wait3A_822] : memref<204800x128xf32, #tpu.memory_space<hbm>> -> memref<128x128xf32, #tpu.memory_space<hbm>>
      %dma_wait3A_824 = arith.constant 0 : i32
      %dma_wait3A_825 = arith.constant 0 : i32
      %dma_wait3A_826 = tpu.memref_slice %arg6[%dma_wait3A_812, %dma_wait3A_824, %dma_wait3A_825] : memref<5x128x128xf32, #tpu.memory_space<vmem>> -> memref<1x128x128xf32, #tpu.memory_space<vmem>>
      %dma_wait3A_827 = tpu.memref_squeeze %dma_wait3A_826 : memref<1x128x128xf32, #tpu.memory_space<vmem>> -> memref<128x128xf32, #tpu.memory_space<vmem>>
      tpu.wait_dma2 semaphore(%dma_wait3A_821 : memref<!tpu.dma_semaphore, #tpu.memory_space<semaphore_mem>>) src(%dma_wait3A_827 : memref<128x128xf32, #tpu.memory_space<vmem>>) dst(%dma_wait3A_823 : memref<128x128xf32, #tpu.memory_space<hbm>>)
      %add3A_828 = arith.constant 4 : i32
      %add3A_829 = arith.addi %add3A_773, %add3A_828 : i32
      %dma_start3A_830 = arith.constant 0 : i32
      %dma_start3A_831 = arith.constant 0 : i32
      %dma_start3A_832 = arith.constant 0 : i32
      %dma_start3A_833 = arith.constant 0 : i32
      %dma_start3A_834 = tpu.memref_slice %arg6[%dma_start3A_830, %dma_start3A_832, %dma_start3A_833] : memref<5x128x128xf32, #tpu.memory_space<vmem>> -> memref<1x128x128xf32, #tpu.memory_space<vmem>>
      %dma_start3A_835 = tpu.memref_squeeze %dma_start3A_834 : memref<1x128x128xf32, #tpu.memory_space<vmem>> -> memref<128x128xf32, #tpu.memory_space<vmem>>
      %dma_start3A_836 = arith.constant 0 : i32
      %dma_start3A_837 = tpu.memref_slice %arg5[%add3A_829, %dma_start3A_836] : memref<50x128xi32, #tpu.memory_space<vmem>> -> memref<1x128xi32, #tpu.memory_space<vmem>>
      %dma_start3A_838 = tpu.memref_squeeze %dma_start3A_837 : memref<1x128xi32, #tpu.memory_space<vmem>> -> memref<128xi32, #tpu.memory_space<vmem>>
      %dma_start3A_839 = arith.constant 0 : i32
      %dma_start3A_840 = arith.constant 0 : i32
      %dma_start3A_841 = tpu.memref_slice %arg7[%dma_start3A_839, %dma_start3A_840] : memref<3000x128xf32, #tpu.memory_space<vmem_shared>> -> memref<3000x128xf32, #tpu.memory_space<vmem_shared>>
      %dma_start3A_842 = tpu.memref_slice %arg8[%dma_start3A_831] : memref<5x!tpu.dma_semaphore, #tpu.memory_space<semaphore_mem>> -> memref<1x!tpu.dma_semaphore, #tpu.memory_space<semaphore_mem>>
      %dma_start3A_843 = tpu.memref_squeeze %dma_start3A_842 : memref<1x!tpu.dma_semaphore, #tpu.memory_space<semaphore_mem>> -> memref<!tpu.dma_semaphore, #tpu.memory_space<semaphore_mem>>
      tpu.enqueue_indirect_dma source(%dma_start3A_841 : memref<3000x128xf32, #tpu.memory_space<vmem_shared>>) target(%dma_start3A_835 : memref<128x128xf32, #tpu.memory_space<vmem>>) offsets(%dma_start3A_838 : memref<128xi32, #tpu.memory_space<vmem>>) semaphore(%dma_start3A_843 : memref<!tpu.dma_semaphore, #tpu.memory_space<semaphore_mem>>)
      %mul3A_844 = arith.constant 5 : i32
      %mul3A_845 = arith.muli %scan3A_695, %mul3A_844 : i32
      %add3A_846 = arith.constant 2 : i32
      %add3A_847 = arith.addi %mul3A_845, %add3A_846 : i32
      %dma_wait3A_848 = arith.constant 2 : i32
      %dma_wait3A_849 = arith.constant 2 : i32
      %dma_wait3A_850 = arith.constant 0 : i32
      %dma_wait3A_851 = arith.constant 0 : i32
      %dma_wait3A_852 = tpu.memref_slice %arg6[%dma_wait3A_848, %dma_wait3A_850, %dma_wait3A_851] : memref<5x128x128xf32, #tpu.memory_space<vmem>> -> memref<1x128x128xf32, #tpu.memory_space<vmem>>
      %dma_wait3A_853 = tpu.memref_squeeze %dma_wait3A_852 : memref<1x128x128xf32, #tpu.memory_space<vmem>> -> memref<128x128xf32, #tpu.memory_space<vmem>>
      %dma_wait3A_854 = arith.constant 0 : i32
      %dma_wait3A_855 = tpu.memref_slice %arg5[%add3A_847, %dma_wait3A_854] : memref<50x128xi32, #tpu.memory_space<vmem>> -> memref<1x128xi32, #tpu.memory_space<vmem>>
      %dma_wait3A_856 = tpu.memref_squeeze %dma_wait3A_855 : memref<1x128xi32, #tpu.memory_space<vmem>> -> memref<128xi32, #tpu.memory_space<vmem>>
      %dma_wait3A_857 = arith.constant 0 : i32
      %dma_wait3A_858 = arith.constant 0 : i32
      %dma_wait3A_859 = tpu.memref_slice %arg7[%dma_wait3A_857, %dma_wait3A_858] : memref<3000x128xf32, #tpu.memory_space<vmem_shared>> -> memref<3000x128xf32, #tpu.memory_space<vmem_shared>>
      %dma_wait3A_860 = tpu.memref_slice %arg8[%dma_wait3A_849] : memref<5x!tpu.dma_semaphore, #tpu.memory_space<semaphore_mem>> -> memref<1x!tpu.dma_semaphore, #tpu.memory_space<semaphore_mem>>
      %dma_wait3A_861 = tpu.memref_squeeze %dma_wait3A_860 : memref<1x!tpu.dma_semaphore, #tpu.memory_space<semaphore_mem>> -> memref<!tpu.dma_semaphore, #tpu.memory_space<semaphore_mem>>
      tpu.wait_indirect_dma semaphore(%dma_wait3A_861 : memref<!tpu.dma_semaphore, #tpu.memory_space<semaphore_mem>>) src(%dma_wait3A_859 : memref<3000x128xf32, #tpu.memory_space<vmem_shared>>) dst(%dma_wait3A_853 : memref<128x128xf32, #tpu.memory_space<vmem>>)
      %mul3A_862 = arith.constant 128 : i32
      %mul3A_863 = arith.muli %add3A_847, %mul3A_862 : i32
      %add3A_864 = arith.addi %mul3A_2, %mul3A_863 : i32
      %dma_start3A_865 = arith.constant 2 : i32
      %dma_start3A_866 = arith.constant 2 : i32
      %dma_start3A_867 = arith.constant 0 : i32
      %dma_start3A_868 = arith.constant 0 : i32
      %dma_start3A_869 = tpu.memref_slice %arg6[%dma_start3A_865, %dma_start3A_867, %dma_start3A_868] : memref<5x128x128xf32, #tpu.memory_space<vmem>> -> memref<1x128x128xf32, #tpu.memory_space<vmem>>
      %dma_start3A_870 = tpu.memref_squeeze %dma_start3A_869 : memref<1x128x128xf32, #tpu.memory_space<vmem>> -> memref<128x128xf32, #tpu.memory_space<vmem>>
      %dma_start3A_871 = arith.constant 0 : i32
      %dma_start3A_872 = tpu.memref_slice %arg4[%add3A_864, %dma_start3A_871] : memref<204800x128xf32, #tpu.memory_space<hbm>> -> memref<128x128xf32, #tpu.memory_space<hbm>>
      %dma_start3A_873 = tpu.memref_slice %arg9[%dma_start3A_866] : memref<5x!tpu.dma_semaphore, #tpu.memory_space<semaphore_mem>> -> memref<1x!tpu.dma_semaphore, #tpu.memory_space<semaphore_mem>>
      %dma_start3A_874 = tpu.memref_squeeze %dma_start3A_873 : memref<1x!tpu.dma_semaphore, #tpu.memory_space<semaphore_mem>> -> memref<!tpu.dma_semaphore, #tpu.memory_space<semaphore_mem>>
      %dma_start3A_875 = arith.constant 0 : i32
      %dma_start3A_876 = tpu.memref_slice %arg4[%add3A_864, %dma_start3A_875] : memref<204800x128xf32, #tpu.memory_space<hbm>> -> memref<128x128xf32, #tpu.memory_space<hbm>>
      %dma_start3A_877 = arith.constant 0 : i32
      %dma_start3A_878 = arith.constant 0 : i32
      %dma_start3A_879 = tpu.memref_slice %arg6[%dma_start3A_865, %dma_start3A_877, %dma_start3A_878] : memref<5x128x128xf32, #tpu.memory_space<vmem>> -> memref<1x128x128xf32, #tpu.memory_space<vmem>>
      %dma_start3A_880 = tpu.memref_squeeze %dma_start3A_879 : memref<1x128x128xf32, #tpu.memory_space<vmem>> -> memref<128x128xf32, #tpu.memory_space<vmem>>
      tpu.enqueue_dma source(%dma_start3A_880 : memref<128x128xf32, #tpu.memory_space<vmem>>) target(%dma_start3A_876 : memref<128x128xf32, #tpu.memory_space<hbm>>) target_semaphore(%dma_start3A_874 : memref<!tpu.dma_semaphore, #tpu.memory_space<semaphore_mem>>)
      %sub3A_881 = arith.constant 1 : i32
      %sub3A_882 = arith.subi %add3A_847, %sub3A_881 : i32
      %mul3A_883 = arith.constant 128 : i32
      %mul3A_884 = arith.muli %sub3A_882, %mul3A_883 : i32
      %add3A_885 = arith.addi %mul3A_2, %mul3A_884 : i32
      %dma_wait3A_886 = arith.constant 1 : i32
      %dma_wait3A_887 = arith.constant 1 : i32
      %dma_wait3A_888 = arith.constant 0 : i32
      %dma_wait3A_889 = arith.constant 0 : i32
      %dma_wait3A_890 = tpu.memref_slice %arg6[%dma_wait3A_886, %dma_wait3A_888, %dma_wait3A_889] : memref<5x128x128xf32, #tpu.memory_space<vmem>> -> memref<1x128x128xf32, #tpu.memory_space<vmem>>
      %dma_wait3A_891 = tpu.memref_squeeze %dma_wait3A_890 : memref<1x128x128xf32, #tpu.memory_space<vmem>> -> memref<128x128xf32, #tpu.memory_space<vmem>>
      %dma_wait3A_892 = arith.constant 0 : i32
      %dma_wait3A_893 = tpu.memref_slice %arg4[%add3A_885, %dma_wait3A_892] : memref<204800x128xf32, #tpu.memory_space<hbm>> -> memref<128x128xf32, #tpu.memory_space<hbm>>
      %dma_wait3A_894 = tpu.memref_slice %arg9[%dma_wait3A_887] : memref<5x!tpu.dma_semaphore, #tpu.memory_space<semaphore_mem>> -> memref<1x!tpu.dma_semaphore, #tpu.memory_space<semaphore_mem>>
      %dma_wait3A_895 = tpu.memref_squeeze %dma_wait3A_894 : memref<1x!tpu.dma_semaphore, #tpu.memory_space<semaphore_mem>> -> memref<!tpu.dma_semaphore, #tpu.memory_space<semaphore_mem>>
      %dma_wait3A_896 = arith.constant 0 : i32
      %dma_wait3A_897 = tpu.memref_slice %arg4[%add3A_885, %dma_wait3A_896] : memref<204800x128xf32, #tpu.memory_space<hbm>> -> memref<128x128xf32, #tpu.memory_space<hbm>>
      %dma_wait3A_898 = arith.constant 0 : i32
      %dma_wait3A_899 = arith.constant 0 : i32
      %dma_wait3A_900 = tpu.memref_slice %arg6[%dma_wait3A_886, %dma_wait3A_898, %dma_wait3A_899] : memref<5x128x128xf32, #tpu.memory_space<vmem>> -> memref<1x128x128xf32, #tpu.memory_space<vmem>>
      %dma_wait3A_901 = tpu.memref_squeeze %dma_wait3A_900 : memref<1x128x128xf32, #tpu.memory_space<vmem>> -> memref<128x128xf32, #tpu.memory_space<vmem>>
      tpu.wait_dma2 semaphore(%dma_wait3A_895 : memref<!tpu.dma_semaphore, #tpu.memory_space<semaphore_mem>>) src(%dma_wait3A_901 : memref<128x128xf32, #tpu.memory_space<vmem>>) dst(%dma_wait3A_897 : memref<128x128xf32, #tpu.memory_space<hbm>>)
      %add3A_902 = arith.constant 4 : i32
      %add3A_903 = arith.addi %add3A_847, %add3A_902 : i32
      %dma_start3A_904 = arith.constant 1 : i32
      %dma_start3A_905 = arith.constant 1 : i32
      %dma_start3A_906 = arith.constant 0 : i32
      %dma_start3A_907 = arith.constant 0 : i32
      %dma_start3A_908 = tpu.memref_slice %arg6[%dma_start3A_904, %dma_start3A_906, %dma_start3A_907] : memref<5x128x128xf32, #tpu.memory_space<vmem>> -> memref<1x128x128xf32, #tpu.memory_space<vmem>>
      %dma_start3A_909 = tpu.memref_squeeze %dma_start3A_908 : memref<1x128x128xf32, #tpu.memory_space<vmem>> -> memref<128x128xf32, #tpu.memory_space<vmem>>
      %dma_start3A_910 = arith.constant 0 : i32
      %dma_start3A_911 = tpu.memref_slice %arg5[%add3A_903, %dma_start3A_910] : memref<50x128xi32, #tpu.memory_space<vmem>> -> memref<1x128xi32, #tpu.memory_space<vmem>>
      %dma_start3A_912 = tpu.memref_squeeze %dma_start3A_911 : memref<1x128xi32, #tpu.memory_space<vmem>> -> memref<128xi32, #tpu.memory_space<vmem>>
      %dma_start3A_913 = arith.constant 0 : i32
      %dma_start3A_914 = arith.constant 0 : i32
      %dma_start3A_915 = tpu.memref_slice %arg7[%dma_start3A_913, %dma_start3A_914] : memref<3000x128xf32, #tpu.memory_space<vmem_shared>> -> memref<3000x128xf32, #tpu.memory_space<vmem_shared>>
      %dma_start3A_916 = tpu.memref_slice %arg8[%dma_start3A_905] : memref<5x!tpu.dma_semaphore, #tpu.memory_space<semaphore_mem>> -> memref<1x!tpu.dma_semaphore, #tpu.memory_space<semaphore_mem>>
      %dma_start3A_917 = tpu.memref_squeeze %dma_start3A_916 : memref<1x!tpu.dma_semaphore, #tpu.memory_space<semaphore_mem>> -> memref<!tpu.dma_semaphore, #tpu.memory_space<semaphore_mem>>
      tpu.enqueue_indirect_dma source(%dma_start3A_915 : memref<3000x128xf32, #tpu.memory_space<vmem_shared>>) target(%dma_start3A_909 : memref<128x128xf32, #tpu.memory_space<vmem>>) offsets(%dma_start3A_912 : memref<128xi32, #tpu.memory_space<vmem>>) semaphore(%dma_start3A_917 : memref<!tpu.dma_semaphore, #tpu.memory_space<semaphore_mem>>)
      %mul3A_918 = arith.constant 5 : i32
      %mul3A_919 = arith.muli %scan3A_695, %mul3A_918 : i32
      %add3A_920 = arith.constant 3 : i32
      %add3A_921 = arith.addi %mul3A_919, %add3A_920 : i32
      %dma_wait3A_922 = arith.constant 3 : i32
      %dma_wait3A_923 = arith.constant 3 : i32
      %dma_wait3A_924 = arith.constant 0 : i32
      %dma_wait3A_925 = arith.constant 0 : i32
      %dma_wait3A_926 = tpu.memref_slice %arg6[%dma_wait3A_922, %dma_wait3A_924, %dma_wait3A_925] : memref<5x128x128xf32, #tpu.memory_space<vmem>> -> memref<1x128x128xf32, #tpu.memory_space<vmem>>
      %dma_wait3A_927 = tpu.memref_squeeze %dma_wait3A_926 : memref<1x128x128xf32, #tpu.memory_space<vmem>> -> memref<128x128xf32, #tpu.memory_space<vmem>>
      %dma_wait3A_928 = arith.constant 0 : i32
      %dma_wait3A_929 = tpu.memref_slice %arg5[%add3A_921, %dma_wait3A_928] : memref<50x128xi32, #tpu.memory_space<vmem>> -> memref<1x128xi32, #tpu.memory_space<vmem>>
      %dma_wait3A_930 = tpu.memref_squeeze %dma_wait3A_929 : memref<1x128xi32, #tpu.memory_space<vmem>> -> memref<128xi32, #tpu.memory_space<vmem>>
      %dma_wait3A_931 = arith.constant 0 : i32
      %dma_wait3A_932 = arith.constant 0 : i32
      %dma_wait3A_933 = tpu.memref_slice %arg7[%dma_wait3A_931, %dma_wait3A_932] : memref<3000x128xf32, #tpu.memory_space<vmem_shared>> -> memref<3000x128xf32, #tpu.memory_space<vmem_shared>>
      %dma_wait3A_934 = tpu.memref_slice %arg8[%dma_wait3A_923] : memref<5x!tpu.dma_semaphore, #tpu.memory_space<semaphore_mem>> -> memref<1x!tpu.dma_semaphore, #tpu.memory_space<semaphore_mem>>
      %dma_wait3A_935 = tpu.memref_squeeze %dma_wait3A_934 : memref<1x!tpu.dma_semaphore, #tpu.memory_space<semaphore_mem>> -> memref<!tpu.dma_semaphore, #tpu.memory_space<semaphore_mem>>
      tpu.wait_indirect_dma semaphore(%dma_wait3A_935 : memref<!tpu.dma_semaphore, #tpu.memory_space<semaphore_mem>>) src(%dma_wait3A_933 : memref<3000x128xf32, #tpu.memory_space<vmem_shared>>) dst(%dma_wait3A_927 : memref<128x128xf32, #tpu.memory_space<vmem>>)
      %mul3A_936 = arith.constant 128 : i32
      %mul3A_937 = arith.muli %add3A_921, %mul3A_936 : i32
      %add3A_938 = arith.addi %mul3A_2, %mul3A_937 : i32
      %dma_start3A_939 = arith.constant 3 : i32
      %dma_start3A_940 = arith.constant 3 : i32
      %dma_start3A_941 = arith.constant 0 : i32
      %dma_start3A_942 = arith.constant 0 : i32
      %dma_start3A_943 = tpu.memref_slice %arg6[%dma_start3A_939, %dma_start3A_941, %dma_start3A_942] : memref<5x128x128xf32, #tpu.memory_space<vmem>> -> memref<1x128x128xf32, #tpu.memory_space<vmem>>
      %dma_start3A_944 = tpu.memref_squeeze %dma_start3A_943 : memref<1x128x128xf32, #tpu.memory_space<vmem>> -> memref<128x128xf32, #tpu.memory_space<vmem>>
      %dma_start3A_945 = arith.constant 0 : i32
      %dma_start3A_946 = tpu.memref_slice %arg4[%add3A_938, %dma_start3A_945] : memref<204800x128xf32, #tpu.memory_space<hbm>> -> memref<128x128xf32, #tpu.memory_space<hbm>>
      %dma_start3A_947 = tpu.memref_slice %arg9[%dma_start3A_940] : memref<5x!tpu.dma_semaphore, #tpu.memory_space<semaphore_mem>> -> memref<1x!tpu.dma_semaphore, #tpu.memory_space<semaphore_mem>>
      %dma_start3A_948 = tpu.memref_squeeze %dma_start3A_947 : memref<1x!tpu.dma_semaphore, #tpu.memory_space<semaphore_mem>> -> memref<!tpu.dma_semaphore, #tpu.memory_space<semaphore_mem>>
      %dma_start3A_949 = arith.constant 0 : i32
      %dma_start3A_950 = tpu.memref_slice %arg4[%add3A_938, %dma_start3A_949] : memref<204800x128xf32, #tpu.memory_space<hbm>> -> memref<128x128xf32, #tpu.memory_space<hbm>>
      %dma_start3A_951 = arith.constant 0 : i32
      %dma_start3A_952 = arith.constant 0 : i32
      %dma_start3A_953 = tpu.memref_slice %arg6[%dma_start3A_939, %dma_start3A_951, %dma_start3A_952] : memref<5x128x128xf32, #tpu.memory_space<vmem>> -> memref<1x128x128xf32, #tpu.memory_space<vmem>>
      %dma_start3A_954 = tpu.memref_squeeze %dma_start3A_953 : memref<1x128x128xf32, #tpu.memory_space<vmem>> -> memref<128x128xf32, #tpu.memory_space<vmem>>
      tpu.enqueue_dma source(%dma_start3A_954 : memref<128x128xf32, #tpu.memory_space<vmem>>) target(%dma_start3A_950 : memref<128x128xf32, #tpu.memory_space<hbm>>) target_semaphore(%dma_start3A_948 : memref<!tpu.dma_semaphore, #tpu.memory_space<semaphore_mem>>)
      %sub3A_955 = arith.constant 1 : i32
      %sub3A_956 = arith.subi %add3A_921, %sub3A_955 : i32
      %mul3A_957 = arith.constant 128 : i32
      %mul3A_958 = arith.muli %sub3A_956, %mul3A_957 : i32
      %add3A_959 = arith.addi %mul3A_2, %mul3A_958 : i32
      %dma_wait3A_960 = arith.constant 2 : i32
      %dma_wait3A_961 = arith.constant 2 : i32
      %dma_wait3A_962 = arith.constant 0 : i32
      %dma_wait3A_963 = arith.constant 0 : i32
      %dma_wait3A_964 = tpu.memref_slice %arg6[%dma_wait3A_960, %dma_wait3A_962, %dma_wait3A_963] : memref<5x128x128xf32, #tpu.memory_space<vmem>> -> memref<1x128x128xf32, #tpu.memory_space<vmem>>
      %dma_wait3A_965 = tpu.memref_squeeze %dma_wait3A_964 : memref<1x128x128xf32, #tpu.memory_space<vmem>> -> memref<128x128xf32, #tpu.memory_space<vmem>>
      %dma_wait3A_966 = arith.constant 0 : i32
      %dma_wait3A_967 = tpu.memref_slice %arg4[%add3A_959, %dma_wait3A_966] : memref<204800x128xf32, #tpu.memory_space<hbm>> -> memref<128x128xf32, #tpu.memory_space<hbm>>
      %dma_wait3A_968 = tpu.memref_slice %arg9[%dma_wait3A_961] : memref<5x!tpu.dma_semaphore, #tpu.memory_space<semaphore_mem>> -> memref<1x!tpu.dma_semaphore, #tpu.memory_space<semaphore_mem>>
      %dma_wait3A_969 = tpu.memref_squeeze %dma_wait3A_968 : memref<1x!tpu.dma_semaphore, #tpu.memory_space<semaphore_mem>> -> memref<!tpu.dma_semaphore, #tpu.memory_space<semaphore_mem>>
      %dma_wait3A_970 = arith.constant 0 : i32
      %dma_wait3A_971 = tpu.memref_slice %arg4[%add3A_959, %dma_wait3A_970] : memref<204800x128xf32, #tpu.memory_space<hbm>> -> memref<128x128xf32, #tpu.memory_space<hbm>>
      %dma_wait3A_972 = arith.constant 0 : i32
      %dma_wait3A_973 = arith.constant 0 : i32
      %dma_wait3A_974 = tpu.memref_slice %arg6[%dma_wait3A_960, %dma_wait3A_972, %dma_wait3A_973] : memref<5x128x128xf32, #tpu.memory_space<vmem>> -> memref<1x128x128xf32, #tpu.memory_space<vmem>>
      %dma_wait3A_975 = tpu.memref_squeeze %dma_wait3A_974 : memref<1x128x128xf32, #tpu.memory_space<vmem>> -> memref<128x128xf32, #tpu.memory_space<vmem>>
      tpu.wait_dma2 semaphore(%dma_wait3A_969 : memref<!tpu.dma_semaphore, #tpu.memory_space<semaphore_mem>>) src(%dma_wait3A_975 : memref<128x128xf32, #tpu.memory_space<vmem>>) dst(%dma_wait3A_971 : memref<128x128xf32, #tpu.memory_space<hbm>>)
      %add3A_976 = arith.constant 4 : i32
      %add3A_977 = arith.addi %add3A_921, %add3A_976 : i32
      %dma_start3A_978 = arith.constant 2 : i32
      %dma_start3A_979 = arith.constant 2 : i32
      %dma_start3A_980 = arith.constant 0 : i32
      %dma_start3A_981 = arith.constant 0 : i32
      %dma_start3A_982 = tpu.memref_slice %arg6[%dma_start3A_978, %dma_start3A_980, %dma_start3A_981] : memref<5x128x128xf32, #tpu.memory_space<vmem>> -> memref<1x128x128xf32, #tpu.memory_space<vmem>>
      %dma_start3A_983 = tpu.memref_squeeze %dma_start3A_982 : memref<1x128x128xf32, #tpu.memory_space<vmem>> -> memref<128x128xf32, #tpu.memory_space<vmem>>
      %dma_start3A_984 = arith.constant 0 : i32
      %dma_start3A_985 = tpu.memref_slice %arg5[%add3A_977, %dma_start3A_984] : memref<50x128xi32, #tpu.memory_space<vmem>> -> memref<1x128xi32, #tpu.memory_space<vmem>>
      %dma_start3A_986 = tpu.memref_squeeze %dma_start3A_985 : memref<1x128xi32, #tpu.memory_space<vmem>> -> memref<128xi32, #tpu.memory_space<vmem>>
      %dma_start3A_987 = arith.constant 0 : i32
      %dma_start3A_988 = arith.constant 0 : i32
      %dma_start3A_989 = tpu.memref_slice %arg7[%dma_start3A_987, %dma_start3A_988] : memref<3000x128xf32, #tpu.memory_space<vmem_shared>> -> memref<3000x128xf32, #tpu.memory_space<vmem_shared>>
      %dma_start3A_990 = tpu.memref_slice %arg8[%dma_start3A_979] : memref<5x!tpu.dma_semaphore, #tpu.memory_space<semaphore_mem>> -> memref<1x!tpu.dma_semaphore, #tpu.memory_space<semaphore_mem>>
      %dma_start3A_991 = tpu.memref_squeeze %dma_start3A_990 : memref<1x!tpu.dma_semaphore, #tpu.memory_space<semaphore_mem>> -> memref<!tpu.dma_semaphore, #tpu.memory_space<semaphore_mem>>
      tpu.enqueue_indirect_dma source(%dma_start3A_989 : memref<3000x128xf32, #tpu.memory_space<vmem_shared>>) target(%dma_start3A_983 : memref<128x128xf32, #tpu.memory_space<vmem>>) offsets(%dma_start3A_986 : memref<128xi32, #tpu.memory_space<vmem>>) semaphore(%dma_start3A_991 : memref<!tpu.dma_semaphore, #tpu.memory_space<semaphore_mem>>)
      %mul3A_992 = arith.constant 5 : i32
      %mul3A_993 = arith.muli %scan3A_695, %mul3A_992 : i32
      %add3A_994 = arith.constant 4 : i32
      %add3A_995 = arith.addi %mul3A_993, %add3A_994 : i32
      %dma_wait3A_996 = arith.constant 4 : i32
      %dma_wait3A_997 = arith.constant 4 : i32
      %dma_wait3A_998 = arith.constant 0 : i32
      %dma_wait3A_999 = arith.constant 0 : i32
      %dma_wait3A_1000 = tpu.memref_slice %arg6[%dma_wait3A_996, %dma_wait3A_998, %dma_wait3A_999] : memref<5x128x128xf32, #tpu.memory_space<vmem>> -> memref<1x128x128xf32, #tpu.memory_space<vmem>>
      %dma_wait3A_1001 = tpu.memref_squeeze %dma_wait3A_1000 : memref<1x128x128xf32, #tpu.memory_space<vmem>> -> memref<128x128xf32, #tpu.memory_space<vmem>>
      %dma_wait3A_1002 = arith.constant 0 : i32
      %dma_wait3A_1003 = tpu.memref_slice %arg5[%add3A_995, %dma_wait3A_1002] : memref<50x128xi32, #tpu.memory_space<vmem>> -> memref<1x128xi32, #tpu.memory_space<vmem>>
      %dma_wait3A_1004 = tpu.memref_squeeze %dma_wait3A_1003 : memref<1x128xi32, #tpu.memory_space<vmem>> -> memref<128xi32, #tpu.memory_space<vmem>>
      %dma_wait3A_1005 = arith.constant 0 : i32
      %dma_wait3A_1006 = arith.constant 0 : i32
      %dma_wait3A_1007 = tpu.memref_slice %arg7[%dma_wait3A_1005, %dma_wait3A_1006] : memref<3000x128xf32, #tpu.memory_space<vmem_shared>> -> memref<3000x128xf32, #tpu.memory_space<vmem_shared>>
      %dma_wait3A_1008 = tpu.memref_slice %arg8[%dma_wait3A_997] : memref<5x!tpu.dma_semaphore, #tpu.memory_space<semaphore_mem>> -> memref<1x!tpu.dma_semaphore, #tpu.memory_space<semaphore_mem>>
      %dma_wait3A_1009 = tpu.memref_squeeze %dma_wait3A_1008 : memref<1x!tpu.dma_semaphore, #tpu.memory_space<semaphore_mem>> -> memref<!tpu.dma_semaphore, #tpu.memory_space<semaphore_mem>>
      tpu.wait_indirect_dma semaphore(%dma_wait3A_1009 : memref<!tpu.dma_semaphore, #tpu.memory_space<semaphore_mem>>) src(%dma_wait3A_1007 : memref<3000x128xf32, #tpu.memory_space<vmem_shared>>) dst(%dma_wait3A_1001 : memref<128x128xf32, #tpu.memory_space<vmem>>)
      %mul3A_1010 = arith.constant 128 : i32
      %mul3A_1011 = arith.muli %add3A_995, %mul3A_1010 : i32
      %add3A_1012 = arith.addi %mul3A_2, %mul3A_1011 : i32
      %dma_start3A_1013 = arith.constant 4 : i32
      %dma_start3A_1014 = arith.constant 4 : i32
      %dma_start3A_1015 = arith.constant 0 : i32
      %dma_start3A_1016 = arith.constant 0 : i32
      %dma_start3A_1017 = tpu.memref_slice %arg6[%dma_start3A_1013, %dma_start3A_1015, %dma_start3A_1016] : memref<5x128x128xf32, #tpu.memory_space<vmem>> -> memref<1x128x128xf32, #tpu.memory_space<vmem>>
      %dma_start3A_1018 = tpu.memref_squeeze %dma_start3A_1017 : memref<1x128x128xf32, #tpu.memory_space<vmem>> -> memref<128x128xf32, #tpu.memory_space<vmem>>
      %dma_start3A_1019 = arith.constant 0 : i32
      %dma_start3A_1020 = tpu.memref_slice %arg4[%add3A_1012, %dma_start3A_1019] : memref<204800x128xf32, #tpu.memory_space<hbm>> -> memref<128x128xf32, #tpu.memory_space<hbm>>
      %dma_start3A_1021 = tpu.memref_slice %arg9[%dma_start3A_1014] : memref<5x!tpu.dma_semaphore, #tpu.memory_space<semaphore_mem>> -> memref<1x!tpu.dma_semaphore, #tpu.memory_space<semaphore_mem>>
      %dma_start3A_1022 = tpu.memref_squeeze %dma_start3A_1021 : memref<1x!tpu.dma_semaphore, #tpu.memory_space<semaphore_mem>> -> memref<!tpu.dma_semaphore, #tpu.memory_space<semaphore_mem>>
      %dma_start3A_1023 = arith.constant 0 : i32
      %dma_start3A_1024 = tpu.memref_slice %arg4[%add3A_1012, %dma_start3A_1023] : memref<204800x128xf32, #tpu.memory_space<hbm>> -> memref<128x128xf32, #tpu.memory_space<hbm>>
      %dma_start3A_1025 = arith.constant 0 : i32
      %dma_start3A_1026 = arith.constant 0 : i32
      %dma_start3A_1027 = tpu.memref_slice %arg6[%dma_start3A_1013, %dma_start3A_1025, %dma_start3A_1026] : memref<5x128x128xf32, #tpu.memory_space<vmem>> -> memref<1x128x128xf32, #tpu.memory_space<vmem>>
      %dma_start3A_1028 = tpu.memref_squeeze %dma_start3A_1027 : memref<1x128x128xf32, #tpu.memory_space<vmem>> -> memref<128x128xf32, #tpu.memory_space<vmem>>
      tpu.enqueue_dma source(%dma_start3A_1028 : memref<128x128xf32, #tpu.memory_space<vmem>>) target(%dma_start3A_1024 : memref<128x128xf32, #tpu.memory_space<hbm>>) target_semaphore(%dma_start3A_1022 : memref<!tpu.dma_semaphore, #tpu.memory_space<semaphore_mem>>)
      %sub3A_1029 = arith.constant 1 : i32
      %sub3A_1030 = arith.subi %add3A_995, %sub3A_1029 : i32
      %mul3A_1031 = arith.constant 128 : i32
      %mul3A_1032 = arith.muli %sub3A_1030, %mul3A_1031 : i32
      %add3A_1033 = arith.addi %mul3A_2, %mul3A_1032 : i32
      %dma_wait3A_1034 = arith.constant 3 : i32
      %dma_wait3A_1035 = arith.constant 3 : i32
      %dma_wait3A_1036 = arith.constant 0 : i32
      %dma_wait3A_1037 = arith.constant 0 : i32
      %dma_wait3A_1038 = tpu.memref_slice %arg6[%dma_wait3A_1034, %dma_wait3A_1036, %dma_wait3A_1037] : memref<5x128x128xf32, #tpu.memory_space<vmem>> -> memref<1x128x128xf32, #tpu.memory_space<vmem>>
      %dma_wait3A_1039 = tpu.memref_squeeze %dma_wait3A_1038 : memref<1x128x128xf32, #tpu.memory_space<vmem>> -> memref<128x128xf32, #tpu.memory_space<vmem>>
      %dma_wait3A_1040 = arith.constant 0 : i32
      %dma_wait3A_1041 = tpu.memref_slice %arg4[%add3A_1033, %dma_wait3A_1040] : memref<204800x128xf32, #tpu.memory_space<hbm>> -> memref<128x128xf32, #tpu.memory_space<hbm>>
      %dma_wait3A_1042 = tpu.memref_slice %arg9[%dma_wait3A_1035] : memref<5x!tpu.dma_semaphore, #tpu.memory_space<semaphore_mem>> -> memref<1x!tpu.dma_semaphore, #tpu.memory_space<semaphore_mem>>
      %dma_wait3A_1043 = tpu.memref_squeeze %dma_wait3A_1042 : memref<1x!tpu.dma_semaphore, #tpu.memory_space<semaphore_mem>> -> memref<!tpu.dma_semaphore, #tpu.memory_space<semaphore_mem>>
      %dma_wait3A_1044 = arith.constant 0 : i32
      %dma_wait3A_1045 = tpu.memref_slice %arg4[%add3A_1033, %dma_wait3A_1044] : memref<204800x128xf32, #tpu.memory_space<hbm>> -> memref<128x128xf32, #tpu.memory_space<hbm>>
      %dma_wait3A_1046 = arith.constant 0 : i32
      %dma_wait3A_1047 = arith.constant 0 : i32
      %dma_wait3A_1048 = tpu.memref_slice %arg6[%dma_wait3A_1034, %dma_wait3A_1046, %dma_wait3A_1047] : memref<5x128x128xf32, #tpu.memory_space<vmem>> -> memref<1x128x128xf32, #tpu.memory_space<vmem>>
      %dma_wait3A_1049 = tpu.memref_squeeze %dma_wait3A_1048 : memref<1x128x128xf32, #tpu.memory_space<vmem>> -> memref<128x128xf32, #tpu.memory_space<vmem>>
      tpu.wait_dma2 semaphore(%dma_wait3A_1043 : memref<!tpu.dma_semaphore, #tpu.memory_space<semaphore_mem>>) src(%dma_wait3A_1049 : memref<128x128xf32, #tpu.memory_space<vmem>>) dst(%dma_wait3A_1045 : memref<128x128xf32, #tpu.memory_space<hbm>>)
      %add3A_1050 = arith.constant 4 : i32
      %add3A_1051 = arith.addi %add3A_995, %add3A_1050 : i32
      %dma_start3A_1052 = arith.constant 3 : i32
      %dma_start3A_1053 = arith.constant 3 : i32
      %dma_start3A_1054 = arith.constant 0 : i32
      %dma_start3A_1055 = arith.constant 0 : i32
      %dma_start3A_1056 = tpu.memref_slice %arg6[%dma_start3A_1052, %dma_start3A_1054, %dma_start3A_1055] : memref<5x128x128xf32, #tpu.memory_space<vmem>> -> memref<1x128x128xf32, #tpu.memory_space<vmem>>
      %dma_start3A_1057 = tpu.memref_squeeze %dma_start3A_1056 : memref<1x128x128xf32, #tpu.memory_space<vmem>> -> memref<128x128xf32, #tpu.memory_space<vmem>>
      %dma_start3A_1058 = arith.constant 0 : i32
      %dma_start3A_1059 = tpu.memref_slice %arg5[%add3A_1051, %dma_start3A_1058] : memref<50x128xi32, #tpu.memory_space<vmem>> -> memref<1x128xi32, #tpu.memory_space<vmem>>
      %dma_start3A_1060 = tpu.memref_squeeze %dma_start3A_1059 : memref<1x128xi32, #tpu.memory_space<vmem>> -> memref<128xi32, #tpu.memory_space<vmem>>
      %dma_start3A_1061 = arith.constant 0 : i32
      %dma_start3A_1062 = arith.constant 0 : i32
      %dma_start3A_1063 = tpu.memref_slice %arg7[%dma_start3A_1061, %dma_start3A_1062] : memref<3000x128xf32, #tpu.memory_space<vmem_shared>> -> memref<3000x128xf32, #tpu.memory_space<vmem_shared>>
      %dma_start3A_1064 = tpu.memref_slice %arg8[%dma_start3A_1053] : memref<5x!tpu.dma_semaphore, #tpu.memory_space<semaphore_mem>> -> memref<1x!tpu.dma_semaphore, #tpu.memory_space<semaphore_mem>>
      %dma_start3A_1065 = tpu.memref_squeeze %dma_start3A_1064 : memref<1x!tpu.dma_semaphore, #tpu.memory_space<semaphore_mem>> -> memref<!tpu.dma_semaphore, #tpu.memory_space<semaphore_mem>>
      tpu.enqueue_indirect_dma source(%dma_start3A_1063 : memref<3000x128xf32, #tpu.memory_space<vmem_shared>>) target(%dma_start3A_1057 : memref<128x128xf32, #tpu.memory_space<vmem>>) offsets(%dma_start3A_1060 : memref<128xi32, #tpu.memory_space<vmem>>) semaphore(%dma_start3A_1065 : memref<!tpu.dma_semaphore, #tpu.memory_space<semaphore_mem>>)
      %scan3A_1066 = arith.constant 0 : i32
      scf.yield %scan3A_1066 : i32
    }
    %scan3A_406 = arith.constant 8 : i32
    %dma_wait3A_407 = arith.constant 45 : i32
    %dma_wait3A_408 = arith.constant 0 : i32
    %dma_wait3A_409 = arith.constant 0 : i32
    %dma_wait3A_410 = arith.constant 0 : i32
    %dma_wait3A_411 = arith.constant 0 : i32
    %dma_wait3A_412 = tpu.memref_slice %arg6[%dma_wait3A_408, %dma_wait3A_410, %dma_wait3A_411] : memref<5x128x128xf32, #tpu.memory_space<vmem>> -> memref<1x128x128xf32, #tpu.memory_space<vmem>>
    %dma_wait3A_413 = tpu.memref_squeeze %dma_wait3A_412 : memref<1x128x128xf32, #tpu.memory_space<vmem>> -> memref<128x128xf32, #tpu.memory_space<vmem>>
    %dma_wait3A_414 = arith.constant 0 : i32
    %dma_wait3A_415 = tpu.memref_slice %arg5[%dma_wait3A_407, %dma_wait3A_414] : memref<50x128xi32, #tpu.memory_space<vmem>> -> memref<1x128xi32, #tpu.memory_space<vmem>>
    %dma_wait3A_416 = tpu.memref_squeeze %dma_wait3A_415 : memref<1x128xi32, #tpu.memory_space<vmem>> -> memref<128xi32, #tpu.memory_space<vmem>>
    %dma_wait3A_417 = arith.constant 0 : i32
    %dma_wait3A_418 = arith.constant 0 : i32
    %dma_wait3A_419 = tpu.memref_slice %arg7[%dma_wait3A_417, %dma_wait3A_418] : memref<3000x128xf32, #tpu.memory_space<vmem_shared>> -> memref<3000x128xf32, #tpu.memory_space<vmem_shared>>
    %dma_wait3A_420 = tpu.memref_slice %arg8[%dma_wait3A_409] : memref<5x!tpu.dma_semaphore, #tpu.memory_space<semaphore_mem>> -> memref<1x!tpu.dma_semaphore, #tpu.memory_space<semaphore_mem>>
    %dma_wait3A_421 = tpu.memref_squeeze %dma_wait3A_420 : memref<1x!tpu.dma_semaphore, #tpu.memory_space<semaphore_mem>> -> memref<!tpu.dma_semaphore, #tpu.memory_space<semaphore_mem>>
    tpu.wait_indirect_dma semaphore(%dma_wait3A_421 : memref<!tpu.dma_semaphore, #tpu.memory_space<semaphore_mem>>) src(%dma_wait3A_419 : memref<3000x128xf32, #tpu.memory_space<vmem_shared>>) dst(%dma_wait3A_413 : memref<128x128xf32, #tpu.memory_space<vmem>>)
    %add3A_422 = arith.constant 5760 : i32
    %add3A_423 = arith.addi %mul3A_2, %add3A_422 : i32
    %dma_start3A_424 = arith.constant 0 : i32
    %dma_start3A_425 = arith.constant 0 : i32
    %dma_start3A_426 = arith.constant 0 : i32
    %dma_start3A_427 = arith.constant 0 : i32
    %dma_start3A_428 = tpu.memref_slice %arg6[%dma_start3A_424, %dma_start3A_426, %dma_start3A_427] : memref<5x128x128xf32, #tpu.memory_space<vmem>> -> memref<1x128x128xf32, #tpu.memory_space<vmem>>
    %dma_start3A_429 = tpu.memref_squeeze %dma_start3A_428 : memref<1x128x128xf32, #tpu.memory_space<vmem>> -> memref<128x128xf32, #tpu.memory_space<vmem>>
    %dma_start3A_430 = arith.constant 0 : i32
    %dma_start3A_431 = tpu.memref_slice %arg4[%add3A_423, %dma_start3A_430] : memref<204800x128xf32, #tpu.memory_space<hbm>> -> memref<128x128xf32, #tpu.memory_space<hbm>>
    %dma_start3A_432 = tpu.memref_slice %arg9[%dma_start3A_425] : memref<5x!tpu.dma_semaphore, #tpu.memory_space<semaphore_mem>> -> memref<1x!tpu.dma_semaphore, #tpu.memory_space<semaphore_mem>>
    %dma_start3A_433 = tpu.memref_squeeze %dma_start3A_432 : memref<1x!tpu.dma_semaphore, #tpu.memory_space<semaphore_mem>> -> memref<!tpu.dma_semaphore, #tpu.memory_space<semaphore_mem>>
    %dma_start3A_434 = arith.constant 0 : i32
    %dma_start3A_435 = tpu.memref_slice %arg4[%add3A_423, %dma_start3A_434] : memref<204800x128xf32, #tpu.memory_space<hbm>> -> memref<128x128xf32, #tpu.memory_space<hbm>>
    %dma_start3A_436 = arith.constant 0 : i32
    %dma_start3A_437 = arith.constant 0 : i32
    %dma_start3A_438 = tpu.memref_slice %arg6[%dma_start3A_424, %dma_start3A_436, %dma_start3A_437] : memref<5x128x128xf32, #tpu.memory_space<vmem>> -> memref<1x128x128xf32, #tpu.memory_space<vmem>>
    %dma_start3A_439 = tpu.memref_squeeze %dma_start3A_438 : memref<1x128x128xf32, #tpu.memory_space<vmem>> -> memref<128x128xf32, #tpu.memory_space<vmem>>
    tpu.enqueue_dma source(%dma_start3A_439 : memref<128x128xf32, #tpu.memory_space<vmem>>) target(%dma_start3A_435 : memref<128x128xf32, #tpu.memory_space<hbm>>) target_semaphore(%dma_start3A_433 : memref<!tpu.dma_semaphore, #tpu.memory_space<semaphore_mem>>)
    %add3A_440 = arith.constant 5632 : i32
    %add3A_441 = arith.addi %mul3A_2, %add3A_440 : i32
    %dma_wait3A_442 = arith.constant 4 : i32
    %dma_wait3A_443 = arith.constant 4 : i32
    %dma_wait3A_444 = arith.constant 0 : i32
    %dma_wait3A_445 = arith.constant 0 : i32
    %dma_wait3A_446 = tpu.memref_slice %arg6[%dma_wait3A_442, %dma_wait3A_444, %dma_wait3A_445] : memref<5x128x128xf32, #tpu.memory_space<vmem>> -> memref<1x128x128xf32, #tpu.memory_space<vmem>>
    %dma_wait3A_447 = tpu.memref_squeeze %dma_wait3A_446 : memref<1x128x128xf32, #tpu.memory_space<vmem>> -> memref<128x128xf32, #tpu.memory_space<vmem>>
    %dma_wait3A_448 = arith.constant 0 : i32
    %dma_wait3A_449 = tpu.memref_slice %arg4[%add3A_441, %dma_wait3A_448] : memref<204800x128xf32, #tpu.memory_space<hbm>> -> memref<128x128xf32, #tpu.memory_space<hbm>>
    %dma_wait3A_450 = tpu.memref_slice %arg9[%dma_wait3A_443] : memref<5x!tpu.dma_semaphore, #tpu.memory_space<semaphore_mem>> -> memref<1x!tpu.dma_semaphore, #tpu.memory_space<semaphore_mem>>
    %dma_wait3A_451 = tpu.memref_squeeze %dma_wait3A_450 : memref<1x!tpu.dma_semaphore, #tpu.memory_space<semaphore_mem>> -> memref<!tpu.dma_semaphore, #tpu.memory_space<semaphore_mem>>
    %dma_wait3A_452 = arith.constant 0 : i32
    %dma_wait3A_453 = tpu.memref_slice %arg4[%add3A_441, %dma_wait3A_452] : memref<204800x128xf32, #tpu.memory_space<hbm>> -> memref<128x128xf32, #tpu.memory_space<hbm>>
    %dma_wait3A_454 = arith.constant 0 : i32
    %dma_wait3A_455 = arith.constant 0 : i32
    %dma_wait3A_456 = tpu.memref_slice %arg6[%dma_wait3A_442, %dma_wait3A_454, %dma_wait3A_455] : memref<5x128x128xf32, #tpu.memory_space<vmem>> -> memref<1x128x128xf32, #tpu.memory_space<vmem>>
    %dma_wait3A_457 = tpu.memref_squeeze %dma_wait3A_456 : memref<1x128x128xf32, #tpu.memory_space<vmem>> -> memref<128x128xf32, #tpu.memory_space<vmem>>
    tpu.wait_dma2 semaphore(%dma_wait3A_451 : memref<!tpu.dma_semaphore, #tpu.memory_space<semaphore_mem>>) src(%dma_wait3A_457 : memref<128x128xf32, #tpu.memory_space<vmem>>) dst(%dma_wait3A_453 : memref<128x128xf32, #tpu.memory_space<hbm>>)
    %dma_start3A_458 = arith.constant 49 : i32
    %dma_start3A_459 = arith.constant 4 : i32
    %dma_start3A_460 = arith.constant 4 : i32
    %dma_start3A_461 = arith.constant 0 : i32
    %dma_start3A_462 = arith.constant 0 : i32
    %dma_start3A_463 = tpu.memref_slice %arg6[%dma_start3A_459, %dma_start3A_461, %dma_start3A_462] : memref<5x128x128xf32, #tpu.memory_space<vmem>> -> memref<1x128x128xf32, #tpu.memory_space<vmem>>
    %dma_start3A_464 = tpu.memref_squeeze %dma_start3A_463 : memref<1x128x128xf32, #tpu.memory_space<vmem>> -> memref<128x128xf32, #tpu.memory_space<vmem>>
    %dma_start3A_465 = arith.constant 0 : i32
    %dma_start3A_466 = tpu.memref_slice %arg5[%dma_start3A_458, %dma_start3A_465] : memref<50x128xi32, #tpu.memory_space<vmem>> -> memref<1x128xi32, #tpu.memory_space<vmem>>
    %dma_start3A_467 = tpu.memref_squeeze %dma_start3A_466 : memref<1x128xi32, #tpu.memory_space<vmem>> -> memref<128xi32, #tpu.memory_space<vmem>>
    %dma_start3A_468 = arith.constant 0 : i32
    %dma_start3A_469 = arith.constant 0 : i32
    %dma_start3A_470 = tpu.memref_slice %arg7[%dma_start3A_468, %dma_start3A_469] : memref<3000x128xf32, #tpu.memory_space<vmem_shared>> -> memref<3000x128xf32, #tpu.memory_space<vmem_shared>>
    %dma_start3A_471 = tpu.memref_slice %arg8[%dma_start3A_460] : memref<5x!tpu.dma_semaphore, #tpu.memory_space<semaphore_mem>> -> memref<1x!tpu.dma_semaphore, #tpu.memory_space<semaphore_mem>>
    %dma_start3A_472 = tpu.memref_squeeze %dma_start3A_471 : memref<1x!tpu.dma_semaphore, #tpu.memory_space<semaphore_mem>> -> memref<!tpu.dma_semaphore, #tpu.memory_space<semaphore_mem>>
    tpu.enqueue_indirect_dma source(%dma_start3A_470 : memref<3000x128xf32, #tpu.memory_space<vmem_shared>>) target(%dma_start3A_464 : memref<128x128xf32, #tpu.memory_space<vmem>>) offsets(%dma_start3A_467 : memref<128xi32, #tpu.memory_space<vmem>>) semaphore(%dma_start3A_472 : memref<!tpu.dma_semaphore, #tpu.memory_space<semaphore_mem>>)
    %dma_wait3A_473 = arith.constant 46 : i32
    %dma_wait3A_474 = arith.constant 1 : i32
    %dma_wait3A_475 = arith.constant 1 : i32
    %dma_wait3A_476 = arith.constant 0 : i32
    %dma_wait3A_477 = arith.constant 0 : i32
    %dma_wait3A_478 = tpu.memref_slice %arg6[%dma_wait3A_474, %dma_wait3A_476, %dma_wait3A_477] : memref<5x128x128xf32, #tpu.memory_space<vmem>> -> memref<1x128x128xf32, #tpu.memory_space<vmem>>
    %dma_wait3A_479 = tpu.memref_squeeze %dma_wait3A_478 : memref<1x128x128xf32, #tpu.memory_space<vmem>> -> memref<128x128xf32, #tpu.memory_space<vmem>>
    %dma_wait3A_480 = arith.constant 0 : i32
    %dma_wait3A_481 = tpu.memref_slice %arg5[%dma_wait3A_473, %dma_wait3A_480] : memref<50x128xi32, #tpu.memory_space<vmem>> -> memref<1x128xi32, #tpu.memory_space<vmem>>
    %dma_wait3A_482 = tpu.memref_squeeze %dma_wait3A_481 : memref<1x128xi32, #tpu.memory_space<vmem>> -> memref<128xi32, #tpu.memory_space<vmem>>
    %dma_wait3A_483 = arith.constant 0 : i32
    %dma_wait3A_484 = arith.constant 0 : i32
    %dma_wait3A_485 = tpu.memref_slice %arg7[%dma_wait3A_483, %dma_wait3A_484] : memref<3000x128xf32, #tpu.memory_space<vmem_shared>> -> memref<3000x128xf32, #tpu.memory_space<vmem_shared>>
    %dma_wait3A_486 = tpu.memref_slice %arg8[%dma_wait3A_475] : memref<5x!tpu.dma_semaphore, #tpu.memory_space<semaphore_mem>> -> memref<1x!tpu.dma_semaphore, #tpu.memory_space<semaphore_mem>>
    %dma_wait3A_487 = tpu.memref_squeeze %dma_wait3A_486 : memref<1x!tpu.dma_semaphore, #tpu.memory_space<semaphore_mem>> -> memref<!tpu.dma_semaphore, #tpu.memory_space<semaphore_mem>>
    tpu.wait_indirect_dma semaphore(%dma_wait3A_487 : memref<!tpu.dma_semaphore, #tpu.memory_space<semaphore_mem>>) src(%dma_wait3A_485 : memref<3000x128xf32, #tpu.memory_space<vmem_shared>>) dst(%dma_wait3A_479 : memref<128x128xf32, #tpu.memory_space<vmem>>)
    %add3A_488 = arith.constant 5888 : i32
    %add3A_489 = arith.addi %mul3A_2, %add3A_488 : i32
    %dma_start3A_490 = arith.constant 1 : i32
    %dma_start3A_491 = arith.constant 1 : i32
    %dma_start3A_492 = arith.constant 0 : i32
    %dma_start3A_493 = arith.constant 0 : i32
    %dma_start3A_494 = tpu.memref_slice %arg6[%dma_start3A_490, %dma_start3A_492, %dma_start3A_493] : memref<5x128x128xf32, #tpu.memory_space<vmem>> -> memref<1x128x128xf32, #tpu.memory_space<vmem>>
    %dma_start3A_495 = tpu.memref_squeeze %dma_start3A_494 : memref<1x128x128xf32, #tpu.memory_space<vmem>> -> memref<128x128xf32, #tpu.memory_space<vmem>>
    %dma_start3A_496 = arith.constant 0 : i32
    %dma_start3A_497 = tpu.memref_slice %arg4[%add3A_489, %dma_start3A_496] : memref<204800x128xf32, #tpu.memory_space<hbm>> -> memref<128x128xf32, #tpu.memory_space<hbm>>
    %dma_start3A_498 = tpu.memref_slice %arg9[%dma_start3A_491] : memref<5x!tpu.dma_semaphore, #tpu.memory_space<semaphore_mem>> -> memref<1x!tpu.dma_semaphore, #tpu.memory_space<semaphore_mem>>
    %dma_start3A_499 = tpu.memref_squeeze %dma_start3A_498 : memref<1x!tpu.dma_semaphore, #tpu.memory_space<semaphore_mem>> -> memref<!tpu.dma_semaphore, #tpu.memory_space<semaphore_mem>>
    %dma_start3A_500 = arith.constant 0 : i32
    %dma_start3A_501 = tpu.memref_slice %arg4[%add3A_489, %dma_start3A_500] : memref<204800x128xf32, #tpu.memory_space<hbm>> -> memref<128x128xf32, #tpu.memory_space<hbm>>
    %dma_start3A_502 = arith.constant 0 : i32
    %dma_start3A_503 = arith.constant 0 : i32
    %dma_start3A_504 = tpu.memref_slice %arg6[%dma_start3A_490, %dma_start3A_502, %dma_start3A_503] : memref<5x128x128xf32, #tpu.memory_space<vmem>> -> memref<1x128x128xf32, #tpu.memory_space<vmem>>
    %dma_start3A_505 = tpu.memref_squeeze %dma_start3A_504 : memref<1x128x128xf32, #tpu.memory_space<vmem>> -> memref<128x128xf32, #tpu.memory_space<vmem>>
    tpu.enqueue_dma source(%dma_start3A_505 : memref<128x128xf32, #tpu.memory_space<vmem>>) target(%dma_start3A_501 : memref<128x128xf32, #tpu.memory_space<hbm>>) target_semaphore(%dma_start3A_499 : memref<!tpu.dma_semaphore, #tpu.memory_space<semaphore_mem>>)
    %add3A_506 = arith.constant 5760 : i32
    %add3A_507 = arith.addi %mul3A_2, %add3A_506 : i32
    %dma_wait3A_508 = arith.constant 0 : i32
    %dma_wait3A_509 = arith.constant 0 : i32
    %dma_wait3A_510 = arith.constant 0 : i32
    %dma_wait3A_511 = arith.constant 0 : i32
    %dma_wait3A_512 = tpu.memref_slice %arg6[%dma_wait3A_508, %dma_wait3A_510, %dma_wait3A_511] : memref<5x128x128xf32, #tpu.memory_space<vmem>> -> memref<1x128x128xf32, #tpu.memory_space<vmem>>
    %dma_wait3A_513 = tpu.memref_squeeze %dma_wait3A_512 : memref<1x128x128xf32, #tpu.memory_space<vmem>> -> memref<128x128xf32, #tpu.memory_space<vmem>>
    %dma_wait3A_514 = arith.constant 0 : i32
    %dma_wait3A_515 = tpu.memref_slice %arg4[%add3A_507, %dma_wait3A_514] : memref<204800x128xf32, #tpu.memory_space<hbm>> -> memref<128x128xf32, #tpu.memory_space<hbm>>
    %dma_wait3A_516 = tpu.memref_slice %arg9[%dma_wait3A_509] : memref<5x!tpu.dma_semaphore, #tpu.memory_space<semaphore_mem>> -> memref<1x!tpu.dma_semaphore, #tpu.memory_space<semaphore_mem>>
    %dma_wait3A_517 = tpu.memref_squeeze %dma_wait3A_516 : memref<1x!tpu.dma_semaphore, #tpu.memory_space<semaphore_mem>> -> memref<!tpu.dma_semaphore, #tpu.memory_space<semaphore_mem>>
    %dma_wait3A_518 = arith.constant 0 : i32
    %dma_wait3A_519 = tpu.memref_slice %arg4[%add3A_507, %dma_wait3A_518] : memref<204800x128xf32, #tpu.memory_space<hbm>> -> memref<128x128xf32, #tpu.memory_space<hbm>>
    %dma_wait3A_520 = arith.constant 0 : i32
    %dma_wait3A_521 = arith.constant 0 : i32
    %dma_wait3A_522 = tpu.memref_slice %arg6[%dma_wait3A_508, %dma_wait3A_520, %dma_wait3A_521] : memref<5x128x128xf32, #tpu.memory_space<vmem>> -> memref<1x128x128xf32, #tpu.memory_space<vmem>>
    %dma_wait3A_523 = tpu.memref_squeeze %dma_wait3A_522 : memref<1x128x128xf32, #tpu.memory_space<vmem>> -> memref<128x128xf32, #tpu.memory_space<vmem>>
    tpu.wait_dma2 semaphore(%dma_wait3A_517 : memref<!tpu.dma_semaphore, #tpu.memory_space<semaphore_mem>>) src(%dma_wait3A_523 : memref<128x128xf32, #tpu.memory_space<vmem>>) dst(%dma_wait3A_519 : memref<128x128xf32, #tpu.memory_space<hbm>>)
    %dma_wait3A_524 = arith.constant 47 : i32
    %dma_wait3A_525 = arith.constant 2 : i32
    %dma_wait3A_526 = arith.constant 2 : i32
    %dma_wait3A_527 = arith.constant 0 : i32
    %dma_wait3A_528 = arith.constant 0 : i32
    %dma_wait3A_529 = tpu.memref_slice %arg6[%dma_wait3A_525, %dma_wait3A_527, %dma_wait3A_528] : memref<5x128x128xf32, #tpu.memory_space<vmem>> -> memref<1x128x128xf32, #tpu.memory_space<vmem>>
    %dma_wait3A_530 = tpu.memref_squeeze %dma_wait3A_529 : memref<1x128x128xf32, #tpu.memory_space<vmem>> -> memref<128x128xf32, #tpu.memory_space<vmem>>
    %dma_wait3A_531 = arith.constant 0 : i32
    %dma_wait3A_532 = tpu.memref_slice %arg5[%dma_wait3A_524, %dma_wait3A_531] : memref<50x128xi32, #tpu.memory_space<vmem>> -> memref<1x128xi32, #tpu.memory_space<vmem>>
    %dma_wait3A_533 = tpu.memref_squeeze %dma_wait3A_532 : memref<1x128xi32, #tpu.memory_space<vmem>> -> memref<128xi32, #tpu.memory_space<vmem>>
    %dma_wait3A_534 = arith.constant 0 : i32
    %dma_wait3A_535 = arith.constant 0 : i32
    %dma_wait3A_536 = tpu.memref_slice %arg7[%dma_wait3A_534, %dma_wait3A_535] : memref<3000x128xf32, #tpu.memory_space<vmem_shared>> -> memref<3000x128xf32, #tpu.memory_space<vmem_shared>>
    %dma_wait3A_537 = tpu.memref_slice %arg8[%dma_wait3A_526] : memref<5x!tpu.dma_semaphore, #tpu.memory_space<semaphore_mem>> -> memref<1x!tpu.dma_semaphore, #tpu.memory_space<semaphore_mem>>
    %dma_wait3A_538 = tpu.memref_squeeze %dma_wait3A_537 : memref<1x!tpu.dma_semaphore, #tpu.memory_space<semaphore_mem>> -> memref<!tpu.dma_semaphore, #tpu.memory_space<semaphore_mem>>
    tpu.wait_indirect_dma semaphore(%dma_wait3A_538 : memref<!tpu.dma_semaphore, #tpu.memory_space<semaphore_mem>>) src(%dma_wait3A_536 : memref<3000x128xf32, #tpu.memory_space<vmem_shared>>) dst(%dma_wait3A_530 : memref<128x128xf32, #tpu.memory_space<vmem>>)
    %add3A_539 = arith.constant 6016 : i32
    %add3A_540 = arith.addi %mul3A_2, %add3A_539 : i32
    %dma_start3A_541 = arith.constant 2 : i32
    %dma_start3A_542 = arith.constant 2 : i32
    %dma_start3A_543 = arith.constant 0 : i32
    %dma_start3A_544 = arith.constant 0 : i32
    %dma_start3A_545 = tpu.memref_slice %arg6[%dma_start3A_541, %dma_start3A_543, %dma_start3A_544] : memref<5x128x128xf32, #tpu.memory_space<vmem>> -> memref<1x128x128xf32, #tpu.memory_space<vmem>>
    %dma_start3A_546 = tpu.memref_squeeze %dma_start3A_545 : memref<1x128x128xf32, #tpu.memory_space<vmem>> -> memref<128x128xf32, #tpu.memory_space<vmem>>
    %dma_start3A_547 = arith.constant 0 : i32
    %dma_start3A_548 = tpu.memref_slice %arg4[%add3A_540, %dma_start3A_547] : memref<204800x128xf32, #tpu.memory_space<hbm>> -> memref<128x128xf32, #tpu.memory_space<hbm>>
    %dma_start3A_549 = tpu.memref_slice %arg9[%dma_start3A_542] : memref<5x!tpu.dma_semaphore, #tpu.memory_space<semaphore_mem>> -> memref<1x!tpu.dma_semaphore, #tpu.memory_space<semaphore_mem>>
    %dma_start3A_550 = tpu.memref_squeeze %dma_start3A_549 : memref<1x!tpu.dma_semaphore, #tpu.memory_space<semaphore_mem>> -> memref<!tpu.dma_semaphore, #tpu.memory_space<semaphore_mem>>
    %dma_start3A_551 = arith.constant 0 : i32
    %dma_start3A_552 = tpu.memref_slice %arg4[%add3A_540, %dma_start3A_551] : memref<204800x128xf32, #tpu.memory_space<hbm>> -> memref<128x128xf32, #tpu.memory_space<hbm>>
    %dma_start3A_553 = arith.constant 0 : i32
    %dma_start3A_554 = arith.constant 0 : i32
    %dma_start3A_555 = tpu.memref_slice %arg6[%dma_start3A_541, %dma_start3A_553, %dma_start3A_554] : memref<5x128x128xf32, #tpu.memory_space<vmem>> -> memref<1x128x128xf32, #tpu.memory_space<vmem>>
    %dma_start3A_556 = tpu.memref_squeeze %dma_start3A_555 : memref<1x128x128xf32, #tpu.memory_space<vmem>> -> memref<128x128xf32, #tpu.memory_space<vmem>>
    tpu.enqueue_dma source(%dma_start3A_556 : memref<128x128xf32, #tpu.memory_space<vmem>>) target(%dma_start3A_552 : memref<128x128xf32, #tpu.memory_space<hbm>>) target_semaphore(%dma_start3A_550 : memref<!tpu.dma_semaphore, #tpu.memory_space<semaphore_mem>>)
    %add3A_557 = arith.constant 5888 : i32
    %add3A_558 = arith.addi %mul3A_2, %add3A_557 : i32
    %dma_wait3A_559 = arith.constant 1 : i32
    %dma_wait3A_560 = arith.constant 1 : i32
    %dma_wait3A_561 = arith.constant 0 : i32
    %dma_wait3A_562 = arith.constant 0 : i32
    %dma_wait3A_563 = tpu.memref_slice %arg6[%dma_wait3A_559, %dma_wait3A_561, %dma_wait3A_562] : memref<5x128x128xf32, #tpu.memory_space<vmem>> -> memref<1x128x128xf32, #tpu.memory_space<vmem>>
    %dma_wait3A_564 = tpu.memref_squeeze %dma_wait3A_563 : memref<1x128x128xf32, #tpu.memory_space<vmem>> -> memref<128x128xf32, #tpu.memory_space<vmem>>
    %dma_wait3A_565 = arith.constant 0 : i32
    %dma_wait3A_566 = tpu.memref_slice %arg4[%add3A_558, %dma_wait3A_565] : memref<204800x128xf32, #tpu.memory_space<hbm>> -> memref<128x128xf32, #tpu.memory_space<hbm>>
    %dma_wait3A_567 = tpu.memref_slice %arg9[%dma_wait3A_560] : memref<5x!tpu.dma_semaphore, #tpu.memory_space<semaphore_mem>> -> memref<1x!tpu.dma_semaphore, #tpu.memory_space<semaphore_mem>>
    %dma_wait3A_568 = tpu.memref_squeeze %dma_wait3A_567 : memref<1x!tpu.dma_semaphore, #tpu.memory_space<semaphore_mem>> -> memref<!tpu.dma_semaphore, #tpu.memory_space<semaphore_mem>>
    %dma_wait3A_569 = arith.constant 0 : i32
    %dma_wait3A_570 = tpu.memref_slice %arg4[%add3A_558, %dma_wait3A_569] : memref<204800x128xf32, #tpu.memory_space<hbm>> -> memref<128x128xf32, #tpu.memory_space<hbm>>
    %dma_wait3A_571 = arith.constant 0 : i32
    %dma_wait3A_572 = arith.constant 0 : i32
    %dma_wait3A_573 = tpu.memref_slice %arg6[%dma_wait3A_559, %dma_wait3A_571, %dma_wait3A_572] : memref<5x128x128xf32, #tpu.memory_space<vmem>> -> memref<1x128x128xf32, #tpu.memory_space<vmem>>
    %dma_wait3A_574 = tpu.memref_squeeze %dma_wait3A_573 : memref<1x128x128xf32, #tpu.memory_space<vmem>> -> memref<128x128xf32, #tpu.memory_space<vmem>>
    tpu.wait_dma2 semaphore(%dma_wait3A_568 : memref<!tpu.dma_semaphore, #tpu.memory_space<semaphore_mem>>) src(%dma_wait3A_574 : memref<128x128xf32, #tpu.memory_space<vmem>>) dst(%dma_wait3A_570 : memref<128x128xf32, #tpu.memory_space<hbm>>)
    %dma_wait3A_575 = arith.constant 48 : i32
    %dma_wait3A_576 = arith.constant 3 : i32
    %dma_wait3A_577 = arith.constant 3 : i32
    %dma_wait3A_578 = arith.constant 0 : i32
    %dma_wait3A_579 = arith.constant 0 : i32
    %dma_wait3A_580 = tpu.memref_slice %arg6[%dma_wait3A_576, %dma_wait3A_578, %dma_wait3A_579] : memref<5x128x128xf32, #tpu.memory_space<vmem>> -> memref<1x128x128xf32, #tpu.memory_space<vmem>>
    %dma_wait3A_581 = tpu.memref_squeeze %dma_wait3A_580 : memref<1x128x128xf32, #tpu.memory_space<vmem>> -> memref<128x128xf32, #tpu.memory_space<vmem>>
    %dma_wait3A_582 = arith.constant 0 : i32
    %dma_wait3A_583 = tpu.memref_slice %arg5[%dma_wait3A_575, %dma_wait3A_582] : memref<50x128xi32, #tpu.memory_space<vmem>> -> memref<1x128xi32, #tpu.memory_space<vmem>>
    %dma_wait3A_584 = tpu.memref_squeeze %dma_wait3A_583 : memref<1x128xi32, #tpu.memory_space<vmem>> -> memref<128xi32, #tpu.memory_space<vmem>>
    %dma_wait3A_585 = arith.constant 0 : i32
    %dma_wait3A_586 = arith.constant 0 : i32
    %dma_wait3A_587 = tpu.memref_slice %arg7[%dma_wait3A_585, %dma_wait3A_586] : memref<3000x128xf32, #tpu.memory_space<vmem_shared>> -> memref<3000x128xf32, #tpu.memory_space<vmem_shared>>
    %dma_wait3A_588 = tpu.memref_slice %arg8[%dma_wait3A_577] : memref<5x!tpu.dma_semaphore, #tpu.memory_space<semaphore_mem>> -> memref<1x!tpu.dma_semaphore, #tpu.memory_space<semaphore_mem>>
    %dma_wait3A_589 = tpu.memref_squeeze %dma_wait3A_588 : memref<1x!tpu.dma_semaphore, #tpu.memory_space<semaphore_mem>> -> memref<!tpu.dma_semaphore, #tpu.memory_space<semaphore_mem>>
    tpu.wait_indirect_dma semaphore(%dma_wait3A_589 : memref<!tpu.dma_semaphore, #tpu.memory_space<semaphore_mem>>) src(%dma_wait3A_587 : memref<3000x128xf32, #tpu.memory_space<vmem_shared>>) dst(%dma_wait3A_581 : memref<128x128xf32, #tpu.memory_space<vmem>>)
    %add3A_590 = arith.constant 6144 : i32
    %add3A_591 = arith.addi %mul3A_2, %add3A_590 : i32
    %dma_start3A_592 = arith.constant 3 : i32
    %dma_start3A_593 = arith.constant 3 : i32
    %dma_start3A_594 = arith.constant 0 : i32
    %dma_start3A_595 = arith.constant 0 : i32
    %dma_start3A_596 = tpu.memref_slice %arg6[%dma_start3A_592, %dma_start3A_594, %dma_start3A_595] : memref<5x128x128xf32, #tpu.memory_space<vmem>> -> memref<1x128x128xf32, #tpu.memory_space<vmem>>
    %dma_start3A_597 = tpu.memref_squeeze %dma_start3A_596 : memref<1x128x128xf32, #tpu.memory_space<vmem>> -> memref<128x128xf32, #tpu.memory_space<vmem>>
    %dma_start3A_598 = arith.constant 0 : i32
    %dma_start3A_599 = tpu.memref_slice %arg4[%add3A_591, %dma_start3A_598] : memref<204800x128xf32, #tpu.memory_space<hbm>> -> memref<128x128xf32, #tpu.memory_space<hbm>>
    %dma_start3A_600 = tpu.memref_slice %arg9[%dma_start3A_593] : memref<5x!tpu.dma_semaphore, #tpu.memory_space<semaphore_mem>> -> memref<1x!tpu.dma_semaphore, #tpu.memory_space<semaphore_mem>>
    %dma_start3A_601 = tpu.memref_squeeze %dma_start3A_600 : memref<1x!tpu.dma_semaphore, #tpu.memory_space<semaphore_mem>> -> memref<!tpu.dma_semaphore, #tpu.memory_space<semaphore_mem>>
    %dma_start3A_602 = arith.constant 0 : i32
    %dma_start3A_603 = tpu.memref_slice %arg4[%add3A_591, %dma_start3A_602] : memref<204800x128xf32, #tpu.memory_space<hbm>> -> memref<128x128xf32, #tpu.memory_space<hbm>>
    %dma_start3A_604 = arith.constant 0 : i32
    %dma_start3A_605 = arith.constant 0 : i32
    %dma_start3A_606 = tpu.memref_slice %arg6[%dma_start3A_592, %dma_start3A_604, %dma_start3A_605] : memref<5x128x128xf32, #tpu.memory_space<vmem>> -> memref<1x128x128xf32, #tpu.memory_space<vmem>>
    %dma_start3A_607 = tpu.memref_squeeze %dma_start3A_606 : memref<1x128x128xf32, #tpu.memory_space<vmem>> -> memref<128x128xf32, #tpu.memory_space<vmem>>
    tpu.enqueue_dma source(%dma_start3A_607 : memref<128x128xf32, #tpu.memory_space<vmem>>) target(%dma_start3A_603 : memref<128x128xf32, #tpu.memory_space<hbm>>) target_semaphore(%dma_start3A_601 : memref<!tpu.dma_semaphore, #tpu.memory_space<semaphore_mem>>)
    %add3A_608 = arith.constant 6016 : i32
    %add3A_609 = arith.addi %mul3A_2, %add3A_608 : i32
    %dma_wait3A_610 = arith.constant 2 : i32
    %dma_wait3A_611 = arith.constant 2 : i32
    %dma_wait3A_612 = arith.constant 0 : i32
    %dma_wait3A_613 = arith.constant 0 : i32
    %dma_wait3A_614 = tpu.memref_slice %arg6[%dma_wait3A_610, %dma_wait3A_612, %dma_wait3A_613] : memref<5x128x128xf32, #tpu.memory_space<vmem>> -> memref<1x128x128xf32, #tpu.memory_space<vmem>>
    %dma_wait3A_615 = tpu.memref_squeeze %dma_wait3A_614 : memref<1x128x128xf32, #tpu.memory_space<vmem>> -> memref<128x128xf32, #tpu.memory_space<vmem>>
    %dma_wait3A_616 = arith.constant 0 : i32
    %dma_wait3A_617 = tpu.memref_slice %arg4[%add3A_609, %dma_wait3A_616] : memref<204800x128xf32, #tpu.memory_space<hbm>> -> memref<128x128xf32, #tpu.memory_space<hbm>>
    %dma_wait3A_618 = tpu.memref_slice %arg9[%dma_wait3A_611] : memref<5x!tpu.dma_semaphore, #tpu.memory_space<semaphore_mem>> -> memref<1x!tpu.dma_semaphore, #tpu.memory_space<semaphore_mem>>
    %dma_wait3A_619 = tpu.memref_squeeze %dma_wait3A_618 : memref<1x!tpu.dma_semaphore, #tpu.memory_space<semaphore_mem>> -> memref<!tpu.dma_semaphore, #tpu.memory_space<semaphore_mem>>
    %dma_wait3A_620 = arith.constant 0 : i32
    %dma_wait3A_621 = tpu.memref_slice %arg4[%add3A_609, %dma_wait3A_620] : memref<204800x128xf32, #tpu.memory_space<hbm>> -> memref<128x128xf32, #tpu.memory_space<hbm>>
    %dma_wait3A_622 = arith.constant 0 : i32
    %dma_wait3A_623 = arith.constant 0 : i32
    %dma_wait3A_624 = tpu.memref_slice %arg6[%dma_wait3A_610, %dma_wait3A_622, %dma_wait3A_623] : memref<5x128x128xf32, #tpu.memory_space<vmem>> -> memref<1x128x128xf32, #tpu.memory_space<vmem>>
    %dma_wait3A_625 = tpu.memref_squeeze %dma_wait3A_624 : memref<1x128x128xf32, #tpu.memory_space<vmem>> -> memref<128x128xf32, #tpu.memory_space<vmem>>
    tpu.wait_dma2 semaphore(%dma_wait3A_619 : memref<!tpu.dma_semaphore, #tpu.memory_space<semaphore_mem>>) src(%dma_wait3A_625 : memref<128x128xf32, #tpu.memory_space<vmem>>) dst(%dma_wait3A_621 : memref<128x128xf32, #tpu.memory_space<hbm>>)
    %dma_wait3A_626 = arith.constant 49 : i32
    %dma_wait3A_627 = arith.constant 4 : i32
    %dma_wait3A_628 = arith.constant 4 : i32
    %dma_wait3A_629 = arith.constant 0 : i32
    %dma_wait3A_630 = arith.constant 0 : i32
    %dma_wait3A_631 = tpu.memref_slice %arg6[%dma_wait3A_627, %dma_wait3A_629, %dma_wait3A_630] : memref<5x128x128xf32, #tpu.memory_space<vmem>> -> memref<1x128x128xf32, #tpu.memory_space<vmem>>
    %dma_wait3A_632 = tpu.memref_squeeze %dma_wait3A_631 : memref<1x128x128xf32, #tpu.memory_space<vmem>> -> memref<128x128xf32, #tpu.memory_space<vmem>>
    %dma_wait3A_633 = arith.constant 0 : i32
    %dma_wait3A_634 = tpu.memref_slice %arg5[%dma_wait3A_626, %dma_wait3A_633] : memref<50x128xi32, #tpu.memory_space<vmem>> -> memref<1x128xi32, #tpu.memory_space<vmem>>
    %dma_wait3A_635 = tpu.memref_squeeze %dma_wait3A_634 : memref<1x128xi32, #tpu.memory_space<vmem>> -> memref<128xi32, #tpu.memory_space<vmem>>
    %dma_wait3A_636 = arith.constant 0 : i32
    %dma_wait3A_637 = arith.constant 0 : i32
    %dma_wait3A_638 = tpu.memref_slice %arg7[%dma_wait3A_636, %dma_wait3A_637] : memref<3000x128xf32, #tpu.memory_space<vmem_shared>> -> memref<3000x128xf32, #tpu.memory_space<vmem_shared>>
    %dma_wait3A_639 = tpu.memref_slice %arg8[%dma_wait3A_628] : memref<5x!tpu.dma_semaphore, #tpu.memory_space<semaphore_mem>> -> memref<1x!tpu.dma_semaphore, #tpu.memory_space<semaphore_mem>>
    %dma_wait3A_640 = tpu.memref_squeeze %dma_wait3A_639 : memref<1x!tpu.dma_semaphore, #tpu.memory_space<semaphore_mem>> -> memref<!tpu.dma_semaphore, #tpu.memory_space<semaphore_mem>>
    tpu.wait_indirect_dma semaphore(%dma_wait3A_640 : memref<!tpu.dma_semaphore, #tpu.memory_space<semaphore_mem>>) src(%dma_wait3A_638 : memref<3000x128xf32, #tpu.memory_space<vmem_shared>>) dst(%dma_wait3A_632 : memref<128x128xf32, #tpu.memory_space<vmem>>)
    %add3A_641 = arith.constant 6272 : i32
    %add3A_642 = arith.addi %mul3A_2, %add3A_641 : i32
    %dma_start3A_643 = arith.constant 4 : i32
    %dma_start3A_644 = arith.constant 4 : i32
    %dma_start3A_645 = arith.constant 0 : i32
    %dma_start3A_646 = arith.constant 0 : i32
    %dma_start3A_647 = tpu.memref_slice %arg6[%dma_start3A_643, %dma_start3A_645, %dma_start3A_646] : memref<5x128x128xf32, #tpu.memory_space<vmem>> -> memref<1x128x128xf32, #tpu.memory_space<vmem>>
    %dma_start3A_648 = tpu.memref_squeeze %dma_start3A_647 : memref<1x128x128xf32, #tpu.memory_space<vmem>> -> memref<128x128xf32, #tpu.memory_space<vmem>>
    %dma_start3A_649 = arith.constant 0 : i32
    %dma_start3A_650 = tpu.memref_slice %arg4[%add3A_642, %dma_start3A_649] : memref<204800x128xf32, #tpu.memory_space<hbm>> -> memref<128x128xf32, #tpu.memory_space<hbm>>
    %dma_start3A_651 = tpu.memref_slice %arg9[%dma_start3A_644] : memref<5x!tpu.dma_semaphore, #tpu.memory_space<semaphore_mem>> -> memref<1x!tpu.dma_semaphore, #tpu.memory_space<semaphore_mem>>
    %dma_start3A_652 = tpu.memref_squeeze %dma_start3A_651 : memref<1x!tpu.dma_semaphore, #tpu.memory_space<semaphore_mem>> -> memref<!tpu.dma_semaphore, #tpu.memory_space<semaphore_mem>>
    %dma_start3A_653 = arith.constant 0 : i32
    %dma_start3A_654 = tpu.memref_slice %arg4[%add3A_642, %dma_start3A_653] : memref<204800x128xf32, #tpu.memory_space<hbm>> -> memref<128x128xf32, #tpu.memory_space<hbm>>
    %dma_start3A_655 = arith.constant 0 : i32
    %dma_start3A_656 = arith.constant 0 : i32
    %dma_start3A_657 = tpu.memref_slice %arg6[%dma_start3A_643, %dma_start3A_655, %dma_start3A_656] : memref<5x128x128xf32, #tpu.memory_space<vmem>> -> memref<1x128x128xf32, #tpu.memory_space<vmem>>
    %dma_start3A_658 = tpu.memref_squeeze %dma_start3A_657 : memref<1x128x128xf32, #tpu.memory_space<vmem>> -> memref<128x128xf32, #tpu.memory_space<vmem>>
    tpu.enqueue_dma source(%dma_start3A_658 : memref<128x128xf32, #tpu.memory_space<vmem>>) target(%dma_start3A_654 : memref<128x128xf32, #tpu.memory_space<hbm>>) target_semaphore(%dma_start3A_652 : memref<!tpu.dma_semaphore, #tpu.memory_space<semaphore_mem>>)
    %add3A_659 = arith.constant 6144 : i32
    %add3A_660 = arith.addi %mul3A_2, %add3A_659 : i32
    %dma_wait3A_661 = arith.constant 3 : i32
    %dma_wait3A_662 = arith.constant 3 : i32
    %dma_wait3A_663 = arith.constant 0 : i32
    %dma_wait3A_664 = arith.constant 0 : i32
    %dma_wait3A_665 = tpu.memref_slice %arg6[%dma_wait3A_661, %dma_wait3A_663, %dma_wait3A_664] : memref<5x128x128xf32, #tpu.memory_space<vmem>> -> memref<1x128x128xf32, #tpu.memory_space<vmem>>
    %dma_wait3A_666 = tpu.memref_squeeze %dma_wait3A_665 : memref<1x128x128xf32, #tpu.memory_space<vmem>> -> memref<128x128xf32, #tpu.memory_space<vmem>>
    %dma_wait3A_667 = arith.constant 0 : i32
    %dma_wait3A_668 = tpu.memref_slice %arg4[%add3A_660, %dma_wait3A_667] : memref<204800x128xf32, #tpu.memory_space<hbm>> -> memref<128x128xf32, #tpu.memory_space<hbm>>
    %dma_wait3A_669 = tpu.memref_slice %arg9[%dma_wait3A_662] : memref<5x!tpu.dma_semaphore, #tpu.memory_space<semaphore_mem>> -> memref<1x!tpu.dma_semaphore, #tpu.memory_space<semaphore_mem>>
    %dma_wait3A_670 = tpu.memref_squeeze %dma_wait3A_669 : memref<1x!tpu.dma_semaphore, #tpu.memory_space<semaphore_mem>> -> memref<!tpu.dma_semaphore, #tpu.memory_space<semaphore_mem>>
    %dma_wait3A_671 = arith.constant 0 : i32
    %dma_wait3A_672 = tpu.memref_slice %arg4[%add3A_660, %dma_wait3A_671] : memref<204800x128xf32, #tpu.memory_space<hbm>> -> memref<128x128xf32, #tpu.memory_space<hbm>>
    %dma_wait3A_673 = arith.constant 0 : i32
    %dma_wait3A_674 = arith.constant 0 : i32
    %dma_wait3A_675 = tpu.memref_slice %arg6[%dma_wait3A_661, %dma_wait3A_673, %dma_wait3A_674] : memref<5x128x128xf32, #tpu.memory_space<vmem>> -> memref<1x128x128xf32, #tpu.memory_space<vmem>>
    %dma_wait3A_676 = tpu.memref_squeeze %dma_wait3A_675 : memref<1x128x128xf32, #tpu.memory_space<vmem>> -> memref<128x128xf32, #tpu.memory_space<vmem>>
    tpu.wait_dma2 semaphore(%dma_wait3A_670 : memref<!tpu.dma_semaphore, #tpu.memory_space<semaphore_mem>>) src(%dma_wait3A_676 : memref<128x128xf32, #tpu.memory_space<vmem>>) dst(%dma_wait3A_672 : memref<128x128xf32, #tpu.memory_space<hbm>>)
    %add3A_677 = arith.constant 6272 : i32
    %add3A_678 = arith.addi %mul3A_2, %add3A_677 : i32
    %dma_wait3A_679 = arith.constant 4 : i32
    %dma_wait3A_680 = arith.constant 4 : i32
    %dma_wait3A_681 = arith.constant 0 : i32
    %dma_wait3A_682 = arith.constant 0 : i32
    %dma_wait3A_683 = tpu.memref_slice %arg6[%dma_wait3A_679, %dma_wait3A_681, %dma_wait3A_682] : memref<5x128x128xf32, #tpu.memory_space<vmem>> -> memref<1x128x128xf32, #tpu.memory_space<vmem>>
    %dma_wait3A_684 = tpu.memref_squeeze %dma_wait3A_683 : memref<1x128x128xf32, #tpu.memory_space<vmem>> -> memref<128x128xf32, #tpu.memory_space<vmem>>
    %dma_wait3A_685 = arith.constant 0 : i32
    %dma_wait3A_686 = tpu.memref_slice %arg4[%add3A_678, %dma_wait3A_685] : memref<204800x128xf32, #tpu.memory_space<hbm>> -> memref<128x128xf32, #tpu.memory_space<hbm>>
    %dma_wait3A_687 = tpu.memref_slice %arg9[%dma_wait3A_680] : memref<5x!tpu.dma_semaphore, #tpu.memory_space<semaphore_mem>> -> memref<1x!tpu.dma_semaphore, #tpu.memory_space<semaphore_mem>>
    %dma_wait3A_688 = tpu.memref_squeeze %dma_wait3A_687 : memref<1x!tpu.dma_semaphore, #tpu.memory_space<semaphore_mem>> -> memref<!tpu.dma_semaphore, #tpu.memory_space<semaphore_mem>>
    %dma_wait3A_689 = arith.constant 0 : i32
    %dma_wait3A_690 = tpu.memref_slice %arg4[%add3A_678, %dma_wait3A_689] : memref<204800x128xf32, #tpu.memory_space<hbm>> -> memref<128x128xf32, #tpu.memory_space<hbm>>
    %dma_wait3A_691 = arith.constant 0 : i32
    %dma_wait3A_692 = arith.constant 0 : i32
    %dma_wait3A_693 = tpu.memref_slice %arg6[%dma_wait3A_679, %dma_wait3A_691, %dma_wait3A_692] : memref<5x128x128xf32, #tpu.memory_space<vmem>> -> memref<1x128x128xf32, #tpu.memory_space<vmem>>
    %dma_wait3A_694 = tpu.memref_squeeze %dma_wait3A_693 : memref<1x128x128xf32, #tpu.memory_space<vmem>> -> memref<128x128xf32, #tpu.memory_space<vmem>>
    tpu.wait_dma2 semaphore(%dma_wait3A_688 : memref<!tpu.dma_semaphore, #tpu.memory_space<semaphore_mem>>) src(%dma_wait3A_694 : memref<128x128xf32, #tpu.memory_space<vmem>>) dst(%dma_wait3A_690 : memref<128x128xf32, #tpu.memory_space<hbm>>)
    return
  }
}

</mosaic_0001>

<sc_bundles>
// kernel: kernel.3.cloned.1.call-start
scs
__scs_entry_jumppad:
0x0: {  	(pc) =	sbr.rel $0x88, $3  }
0x1: {  	(tag) =	ssettag $0x0;
	lr =	simm.s32 $0x1  }
0x2: {  	[smem:$0x3F9F] =	sst lr;
	_ =	strace $0xD0000000  }
0x3: {  	_ = 	snop  }
0x4: {  	_ = 	snop  }
0x5: {  	_ = 	snop  }
0x6: {  	_ = 	snop  }
0x7: {  	_ = 	snop  }
__scs_overlays_trampoline_lowered:
0x8: {  	[smem:$0x3FAE] =	sst s0  }
0x9: {  	[smem:$0x3FAF] =	sst s1  }
0xa: {  	[smem:$0x3FB0] =	sst s2  }
0xb: {  	[smem:$0x3FB1] =	sst s3  }
0xc: {  	[smem:$0x3FB2] =	sst s4  }
0xd: {  	[smem:$0x3FB3] =	sst s5  }
0xe: {  	[smem:$0x3FB4] =	sst s6  }
0xf: {  	[smem:$0x3FB5] =	sst s7  }
0x10: {  	[smem:$0x3FB6] =	sst s8  }
0x11: {  	[smem:$0x3FB7] =	sst s9;
	s0 =	simm.s32 @!p0 $0x0  }
0x12: {  	s1 =	sld [smem:$0x3F9D];
	s0 =	simm.s32 @p0 $0x1  }
0x13: {  	[smem:$0x3FB8] =	sst s0;
	s0 =	simm.s32 @!p1 $0x0  }
0x14: {  	s2 =	sld [smem:$0x3F9C];
	s0 =	simm.s32 @p1 $0x1  }
0x15: {  	[smem:$0x3FB9] =	sst s0;
	s0 =	simm.s32 @!p2 $0x0  }
0x16: {  	s3 =	sld [smem:$0x3FDB];
	s0 =	simm.s32 @p2 $0x1  }
0x17: {  	s4 =	simm.s32 $0x1BF5;
	[smem:$0x3FBB] =	sst s0  }
0x18: {  	s0 =	sld [smem:$0x3F9E];
	_ =	swait.ge [sflag:s4], $0x0  }
0x19: {  	s7 =	sld [smem:$0x3F9F]  }
0x1a: {  	s8 =	sadd.s32 $0xFFFFE003, lr  }
0x1b: {  	s9 =	sadd.s32 $0xFFFFFEF7, lr;
	s5 =	simm.s32 $0xFFFFFFFF;
	p2 =	slt.u32 s8, $0xFFFFF086  }
0x1c: {  	p1 =	slt.u32 s9, $0xF7A;
	s5 =	simm.s32 @!p2 $0x0  }
0x1d: {  	s5 =	simm.s32 @p1 $0x1;
	p0 =	seq.s32 s7, s2  }
0x1e: {  	s7 =	smul.u32 @!p0 $0xF7A, s2;
	p2 =	seq.s32 @!p0 s5, $0x0  }
0x1f: {  	s9 =	smul.u32 $0xF7A, s1;
	s8 =	simm.s32 @!p0 $0x1BF5;
	p2 =	por !p2, p0  }
0x20: {  	[sflag:s8] =	ssyncset.s32 @!p0 $0xFFFFF086;
	s6 =	sadd.s32 @!p0 s3, s7;
	s7 =	simm.s32 @!p0 $0x108  }
0x21: {  	s3 =	sadd.s32 s3, s9;
	s6 =	sadd.s32 @!p0 $0x88, s6;
	s7 =	simm.s32 @p2 $0x1082  }
0x22: {  	[simem:s7], [sflag:s8] =	dma.local @!p0 [hbm:s6], $0xF7A  }
0x23: {  	s9 =	sor.u32 $0xD0000000, s2;
	s6 =	simm.s32 $0x108;
	_ =	swait.ge @!p0 [sflag:s8], $0x0  }
0x24: {  	s3 =	sadd.s32 $0x88, s3;
	s6 =	simm.s32 @!p1 $0x1082;
	[sflag:s4] =	ssyncset.s32 $0xFFFFF086  }
0x25: {  	[simem:s6], [sflag:s4] =	dma.local [hbm:s3], $0xF7A  }
0x26: {  	[smem:$0x3F9F] =	sst s1;
	(tag) =	ssettag s2;
	_ =	strace s9  }
0x27: {  	s1 =	sld [smem:$0x3FAF]  }
0x28: {  	s2 =	sld [smem:$0x3FB0]  }
0x29: {  	s4 =	sld [smem:$0x3FB2]  }
0x2a: {  	p0 =	seq.s32 s5, $0x0;
	s5 =	sld [smem:$0x3FB3]  }
0x2b: {  	s6 =	sld [smem:$0x3FB4]  }
0x2c: {  	s7 =	sld [smem:$0x3FB5]  }
0x2d: {  	s3 =	simm.s32 $0x108;
	s8 =	sld [smem:$0x3FB6]  }
0x2e: {  	s3 =	simm.s32 @!p0 $0x1082;
	s9 =	sld [smem:$0x3FB7]  }
0x2f: {  	lr =	sadd.s32 s0, s3;
	s0 =	sld [smem:$0x3FAE]  }
0x30: {  	s3 =	sld [smem:$0x3FB1]  }
0x31: {  	[smem:$0x3FBA] =	sst s10  }
0x32: {  	s10 =	sld [smem:$0x3FB8];
	_ =	sdelay $0x3  }
0x33: {  	p0 =	seq.s32 s10, $0x1;
	s10 =	sld [smem:$0x3FBA];
	_ =	sdelay $0x3  }
0x34: {  	[smem:$0x3FBA] =	sst s10  }
0x35: {  	s10 =	sld [smem:$0x3FB9];
	_ =	sdelay $0x3  }
0x36: {  	p1 =	seq.s32 s10, $0x1;
	s10 =	sld [smem:$0x3FBA];
	_ =	sdelay $0x3  }
0x37: {  	[smem:$0x3FBA] =	sst s10  }
0x38: {  	s10 =	sld [smem:$0x3FBB]  }
0x39: {  	_ = 	snop;
	(pc) =	sbr.ind lr, $3  }
0x3a: {  	_ = 	snop  }
0x3b: {  	_ = 	snop  }
0x3c: {  	p2 =	seq.s32 s10, $0x1;
	s10 =	sld [smem:$0x3FBA]  }
0x3d: {  	_ =	shalt  }
0x3e: {  	_ =	shalt  }
0x3f: {  	_ =	shalt  }
0x40: {  	_ =	shalt  }
0x41: {  	_ =	shalt  }
0x42: {  	_ =	shalt  }
0x43: {  	_ =	shalt  }
0x44: {  	_ =	shalt  }
0x45: {  	_ =	shalt  }
0x46: {  	_ =	shalt  }
0x47: {  	_ =	shalt  }
0x48: {  	_ =	shalt  }
0x49: {  	_ =	shalt  }
0x4a: {  	_ =	shalt  }
0x4b: {  	_ =	shalt  }
0x4c: {  	_ =	shalt  }
0x4d: {  	_ =	shalt  }
0x4e: {  	_ =	shalt  }
0x4f: {  	_ =	shalt  }
0x50: {  	_ =	shalt  }
0x51: {  	_ =	shalt  }
0x52: {  	_ =	shalt  }
0x53: {  	_ =	shalt  }
0x54: {  	_ =	shalt  }
0x55: {  	_ =	shalt  }
0x56: {  	_ =	shalt  }
0x57: {  	_ =	shalt  }
0x58: {  	_ =	shalt  }
0x59: {  	_ =	shalt  }
0x5a: {  	_ =	shalt  }
0x5b: {  	_ =	shalt  }
0x5c: {  	_ =	shalt  }
0x5d: {  	_ =	shalt  }
0x5e: {  	_ =	shalt  }
0x5f: {  	_ =	shalt  }
0x60: {  	_ =	shalt  }
0x61: {  	_ =	shalt  }
0x62: {  	_ =	shalt  }
0x63: {  	_ =	shalt  }
0x64: {  	_ =	shalt  }
0x65: {  	_ =	shalt  }
0x66: {  	_ =	shalt  }
0x67: {  	_ =	shalt  }
0x68: {  	_ =	shalt  }
0x69: {  	_ =	shalt  }
0x6a: {  	_ =	shalt  }
0x6b: {  	_ =	shalt  }
0x6c: {  	_ =	shalt  }
0x6d: {  	_ =	shalt  }
0x6e: {  	_ =	shalt  }
0x6f: {  	_ =	shalt  }
0x70: {  	_ =	shalt  }
0x71: {  	_ =	shalt  }
0x72: {  	_ =	shalt  }
0x73: {  	_ =	shalt  }
0x74: {  	_ =	shalt  }
0x75: {  	_ =	shalt  }
0x76: {  	_ =	shalt  }
0x77: {  	_ =	shalt  }
0x78: {  	_ =	shalt  }
0x79: {  	_ =	shalt  }
0x7a: {  	_ =	shalt  }
0x7b: {  	_ =	shalt  }
0x7c: {  	_ =	shalt  }
0x7d: {  	_ =	shalt  }
0x7e: {  	_ =	shalt  }
0x7f: {  	_ =	shalt  }
0x80: {  	_ =	shalt  }
0x81: {  	_ =	shalt  }
0x82: {  	_ =	shalt  }
0x83: {  	_ =	shalt  }
0x84: {  	_ =	shalt  }
0x85: {  	_ =	shalt  }
0x86: {  	_ =	shalt  }
0x87: {  	_ =	shalt  }
.Lfunc_end0:
.L_simem_size_0:
called_computation_lowered:
.L_overlay_start_0:
0x88: {  	s2 =	sld [smem:$0x3FD9]  }
0x89: {  	s3 =	sld [smem:$0x3FFE];
	_ =	sdelay $0x1  }
0x8a: {  	s1 =	srdreg.scid  }
0x8b: {  	s0 =	sand.u32 $0x1, s1  }
0x8c: {  	s17 =	sshll.u32 s0, $0xA;
	s2 =	sadd.s32 s3, s2  }
0x8d: {  	s2 =	sadd.s32 s2, s17  }
0x8e: {  	[smem:$0x3FC6] =	sst s2  }
0x8f: {  	_ = 	snop  }
0x90: {  	s2 =	sld [smem:$0x3FC8]  }
0x91: {  	s18 =	sld [smem:$0x3FD0];
	(tm) =	ssettm $0x1  }
0x92: {  	s4 =	sld [smem:$0x3FFB];
	_ =	sdelay $0x3  }
0x93: {  	_ =	strace s4  }
0x94: {  	s4 =	sld [smem:$0x3FFC];
	_ =	sdelay $0x3  }
0x95: {  	_ =	strace s4  }
0x96: {  	s4 =	sld [smem:$0x3FFD];
	_ =	sdelay $0x3  }
0x97: {  	_ =	strace s4  }
0x98: {  	_ =	strace $0x8FFFFFFF  }
0x99: {  	s19 =	sld [smem:$0x3FDB];
	_ =	sdelay $0x1  }
0x9a: {  	s5 =	simm.s32 $_scs_section_size  }
0x9b: {  	s6 =	simm.s32 $_size__tile_overlayer_lowered;
	s7 =	simm.s32 $_tile_overlayer_lowered  }
0x9c: {  	s22 =	simm.s32 $0x1BFF;
	s21 =	sshll.u32 s7, $0x1;
	s4 =	sadd.s32 s5, s19  }
0x9d: {  	s8 =	simm.s32 $0x0;
	s20 =	sshll.u32 s6, $0x1;
	s6 =	sadd.s32 s21, s4  }
0x9e: {  	[timem:s8], [sflag:s22] =	dma.local [hbm:s6], s20  }
0x9f: {  	_ =	swait.ge [sflag:s22], s20  }
0xa0: {  	s5 =	ssub.s32 $0x0, s20;
	[sflag:s22] =	ssyncset.done $0x0  }
0xa1: {  	[sflag:s22] =	ssyncadd.s32 s5;
	_ =	sdelay $0x1  }
0xa2: {  	s23 =	simm.s32 $0x1B8B  }
0xa3: {  	_ =	swait.ge [sflag:s23], $0x1  }
0xa4: {  	[sflag:s23] =	ssyncset.done $0x0  }
0xa5: {  	s25 =	simm.s32 $0x1B8E;
	s24 =	sld [smem:$0x3FFE];
	[sflag:s23] =	ssyncadd.s32 $0xFFFFFFFF  }
0xa6: {  	s26 =	simm.s32 $execute0_lowered;
	[smem:$0x3FD2] =	sst s25  }
0xa7: {  	s6 =	sshll.u32 s26, $0x1;
	_ =	strace $0x80000046;
	[dreg:$0x1] =	wrdreg $0xFFFFFFFF  }
0xa8: {  	s28 =	simm.s32 $_size_execute0_lowered;
	s4 =	sadd.s32 s4, s6;
	[dreg:$0x0] =	wrdreg $0x0  }
0xa9: {  	s6 =	sshll.u32 s28, $0x1;
	[dreg:$0x2] =	wrdreg s4  }
0xaa: {  	[dreg:$0x3] =	wrdreg s6  }
0xab: {  	[dreg:$0x4] =	wrdreg $0xC0  }
0xac: {  	_ =	task [dreg:s8], $0x5FFFF  }
0xad: {  	[dreg:$0x1] =	wrdreg $0xFFFFFFFF  }
0xae: {  	[dreg:$0x0] =	wrdreg $0x60  }
0xaf: {  	[dreg:$0x2] =	wrdreg s24  }
0xb0: {  	[dreg:$0x3] =	wrdreg s2  }
0xb1: {  	[dreg:$0x4] =	wrdreg s18  }
0xb2: {  	[dreg:$0x5] =	wrdreg $0x15C000  }
0xb3: {  	[dreg:$0x6] =	wrdreg $0x9  }
0xb4: {  	_ =	task.clear_ibuf [dreg:s8], $0x7FFFF;
	_ =	strace $0x90000046  }
0xb5: {  	s29 =	simm.s32 $0x9;
	_ =	strace $0x80000048  }
0xb6: {  	_ =	swait.ge [sflag:s29], $0x1  }
0xb7: {  	[sflag:s29] =	ssyncadd.s32 $0xFFFFFFFF  }
0xb8: {  	_ =	strace $0x90000048  }
0xb9: {  	_ =	sfence  }
0xba: {  	s30 =	sld [smem:$0x0];
	_ =	sdelay $0x2  }
0xbb: {  	s31 =	sshll.u32 s1, $0xD;
	s1 =	sshrl.u32 s1, $0x2  }
0xbc: {  	s3 =	sand.u32 $0x4000, s31;
	s1 =	sadd.s32 s1, s30  }
0xbd: {  	s0 =	sor.u32 s3, s0;
	s1 =	sshll.u32 s1, $0x11  }
0xbe: {  	s0 =	sor.u32 s1, s0  }
0xbf: {  	s0 =	sadd.s32 $0x8F2B, s0  }
0xc0: {  	[sflag:s0] =	ssyncadd.remote.s32 $0x1  }
0xc1: {  	_ =	sfence.sel $0xFFFF  }
0xc2: {  	[dreg:$0x0] =	wrdreg $0xFFFFFFFF;
	(pc) =	sbr.abs _section_cstart, $3  }
0xc3: {  	[dreg:$0x1] =	wrdreg $0xFFFFFFFF  }
0xc4: {  	_ =	task.clear_ibuf [dreg:s8], $0x2FFFF;
	_ =	strace $0x9FFFFFFF  }
0xc5: {  	(tm) =	ssettm $0x7FFFFFFF  }
tec
execute0_lowered:
.L_overlay_start_1:
0x0: {  	(tag) =	ssettag $0x1  }
0x1: {  	s0 =	rddreg [dreg:$0x0]  }
0x2: {  	s1 =	rddreg [dreg:$0x1]  }
0x3: {  	s4 =	rddreg [dreg:$0x2]  }
0x4: {  	s3 =	srdreg.scid;
	s11 =	stileid.u32  }
0x5: {  	s2 =	rddreg [dreg:$0x3];
	s28 =	simm.s32 $0x9C00;
	s30 =	simm.s32 $0xDC00  }
0x6: {  	s31 =	simm.s32 $0x1;
	s29 =	simm.s32 $0x7;
	s9 =	smul.u32 $0x18000, s11  }
0x7: {  	s5 =	sand.u32 $0x1, s3;
	s6 =	sshll.u32 s11, $0x1;
	s10 =	smul.u32 $0xC00, s11  }
0x8: {  	s3 =	simm.s32 $0x0;
	s24 =	smul.u32 $0x32000, s11;
	s6 =	sor.u32 s5, s6  }
0x9: {  	[smem:$0x7FF] =	sst s3;
	s8 =	ssub.s32 $0x2, s5;
	s5 =	smul.u32 $0x19000, s5  }
0xa: {  	p0 =	seq.s32 s11, $0xF;
	s7 =	smul.u32 $0x380, s6;
	_ =	strace $0x80000047  }
0xb: {  	s15 =	sshrl.u32 s8, $0x1;
	s16 =	sshrl.u32 s9, $0x2;
	s17 =	smul.u32 $0xC8000, s6  }
0xc: {  	s6 =	smul.u32 $0x19000, s6;
	s18 =	sadd.s32 s1, s10;
	s10 =	sadd.s32 $0x5A000, s2  }
0xd: {  	s1 =	sadd.s32 $0xB400, s1;
	s26 =	sadd.s32 s24, s4;
	[dreg:$0x6] =	wrdreg s18  }
0xe: {  	s24 =	simm.s32 $0x1C00;
	s8 =	ssub.s32 s8, s15;
	[dreg:$0x7] =	wrdreg s1  }
0xf: {  	s1 =	sadd.s32 s5, s26;
	s26 =	simm.s32 $0x2;
	s5 =	simm.s32 $0x8  }
0x10: {  	s0 =	sadd.s32 s7, s0;
	s9 =	sshrl.u32 s17, $0x3;
	s7 =	sadd.s32 s4, s6  }
0x11: {  	s17 =	smax.u32 s8, $0x1;
	s18 =	sadd.s32 $0x4800, s1;
	s1 =	sshll.u32 @!p0 s11, $0x6  }
0x12: {  	s8 =	simm.s32 $0x9;
	s0 =	sadd.s32 $0x400, s0;
	s19 =	sadd.s32 s4, s9  }
0x13: {  	s6 =	sadd.s32 $0x800, s7;
	s4 =	simm.s32 $0x4;
	[dreg:$0x5] =	wrdreg s0  }
0x14: {  	s0 =	sadd.s32 s16, s2;
	[dreg:$0x8] =	wrdreg s6;
	s20 =	sadd.s32 $0x1000, s19  }
0x15: {  	s21 =	sadd.s32 $0x1800, s19;
	s22 =	sadd.s32 $0x2000, s19;
	[dreg:$0x9] =	wrdreg s20  }
0x16: {  	s23 =	sadd.s32 $0x16800, s19;
	s9 =	sadd.s32 $0x17000, s19;
	[dreg:$0xa] =	wrdreg s21  }
0x17: {  	s25 =	sadd.s32 $0x17800, s19;
	s15 =	sadd.s32 $0x18000, s19;
	[dreg:$0xb] =	wrdreg s22  }
0x18: {  	s16 =	sadd.s32 $0x18800, s19;
	s19 =	sshrl.u32 @p0 s10, $0x3;
	[dreg:$0xc] =	wrdreg s23  }
0x19: {  	s6 =	simm.s32 $0x5;
	s10 =	simm.s32 $0x0;
	[dreg:$0xd] =	wrdreg s9  }
0x1a: {  	[dreg:$0xe] =	wrdreg s25;
	s20 =	sor.u32 @!p0 $0x1C0B, s1;
	s21 =	sshrl.u32 @!p0 s0, $0x3  }
0x1b: {  	s22 =	simm.s32 $0x6;
	s23 =	simm.s32 $0x80;
	s25 =	simm.s32 $0x5C00  }
0x1c: {  	s0 =	simm.s32 $0x11C00;
	s1 =	simm.s32 $0x3;
	s9 =	simm.s32 $0xA  }
.LBB2_1:
0x1d: {  	s11 =	rddreg [dreg:$0x5]  }
0x1e: {  	[tilespmem:s3], [sflag:$0x6] =	stream.linear.gather [hbm4b:s11+s3], $0x1900, $0x38;
	[tilespmem:$0x1B9C0] =	vst v63  }
0x1f: {  	s12 =	rddreg [dreg:$0x7];
	s11 =	simm.s32 @p0 $0x1FCB  }
0x20: {  	[spmem:s19], [sflag:s11] =	dma.local @p0 [hbm:s12], $0x780  }
0x21: {  	s11 =	simm.s32 @p0 $0xB  }
0x22: {  	_ =	swait.ge @p0 [sflag:s11], $0x780  }
0x23: {  	[sflag:s11] =	ssyncset.done @p0 $0x0  }
0x24: {  	[sflag:s11] =	ssyncadd.s32 @p0 $0xFFFFF880;
	s11 =	rddreg [dreg:$0x6]  }
0x25: {  	[spmem:s21], [sflag:s20] =	dma.local @!p0 [hbm:s11], $0xC00  }
0x26: {  	s11 =	simm.s32 @!p0 $0xB  }
0x27: {  	_ =	swait.ge @!p0 [sflag:s11], $0xC00  }
0x28: {  	[sflag:s11] =	ssyncset.done @!p0 $0x0  }
0x29: {  	[sflag:s11] =	ssyncadd.s32 @!p0 $0xFFFFF400  }
0x2a: {  	_ =	swait.ge [sflag:s22], $0x1900  }
0x2b: {  	[sflag:s22] =	ssyncset.done $0x0  }
0x2c: {  	[sflag:s22] =	ssyncadd.s32 $0xFFFFE700  }
0x2d: {  	[bflag:$0x0] =	sbarrier.arrive $0xFFFF  }
0x2e: {  	[tilespmem:s24], [sflag:$0x1] =	stream.indirect.gather [spmem:s2], $0x80, s3, s23, $0xb8;
	[tilespmem:$0x1B9C0] =	vst v63  }
0x2f: {  	_ = 	snop  }
0x30: {  	[tilespmem:s25], [sflag:$0x2] =	stream.indirect.gather [spmem:s2], $0x80, s23, s23, $0xb8;
	[tilespmem:$0x1B9C0] =	vst v63  }
0x31: {  	s14 =	simm.s32 $0x100  }
0x32: {  	[tilespmem:s28], [sflag:$0x3] =	stream.indirect.gather [spmem:s2], $0x80, s14, s23, $0xb8;
	[tilespmem:$0x1B9C0] =	vst v63  }
0x33: {  	s12 =	simm.s32 $0x180  }
0x34: {  	[tilespmem:s30], [sflag:$0x4] =	stream.indirect.gather [spmem:s2], $0x80, s12, s23, $0xb8;
	[tilespmem:$0x1B9C0] =	vst v63  }
0x35: {  	_ =	swait.ge [sflag:s31], $0x4000  }
0x36: {  	[sflag:s31] =	ssyncset.done $0x0  }
0x37: {  	[sflag:s31] =	ssyncadd.s32 $0xFFFFC000  }
0x38: {  	[hbm4b:s7+s3] =	stream.linear.scatter [tilespmem:s24], [sflag:$0x6], $0x4000, $0x38;
	[tilespmem:$0x1B9C0] =	vst v63  }
0x39: {  	s13 =	simm.s32 $0x200  }
0x3a: {  	[tilespmem:s0], [sflag:$0x5] =	stream.indirect.gather [spmem:s2], $0x80, s13, s23, $0xb8;
	[tilespmem:$0x1B9C0] =	vst v63  }
0x3b: {  	_ =	swait.ge [sflag:s26], $0x4000  }
0x3c: {  	[sflag:s26] =	ssyncset.done $0x0  }
0x3d: {  	s14 =	rddreg [dreg:$0x8];
	[sflag:s26] =	ssyncadd.s32 $0xFFFFC000  }
0x3e: {  	[hbm4b:s14+s3] =	stream.linear.scatter [tilespmem:s25], [sflag:$0x7], $0x4000, $0x38;
	[tilespmem:$0x1B9C0] =	vst v63  }
0x3f: {  	_ =	swait.ge [sflag:s22], $0x4000  }
0x40: {  	[sflag:s22] =	ssyncset.done $0x0  }
0x41: {  	s12 =	simm.s32 $0x280;
	[sflag:s22] =	ssyncadd.s32 $0xFFFFC000  }
0x42: {  	[tilespmem:s24], [sflag:$0x1] =	stream.indirect.gather [spmem:s2], $0x80, s12, s23, $0xb8;
	[tilespmem:$0x1B9C0] =	vst v63  }
0x43: {  	_ =	swait.ge [sflag:s1], $0x4000  }
0x44: {  	[sflag:s1] =	ssyncset.done $0x0  }
0x45: {  	s13 =	rddreg [dreg:$0x9];
	[sflag:s1] =	ssyncadd.s32 $0xFFFFC000  }
0x46: {  	[hbm4b:s13+s3] =	stream.linear.scatter [tilespmem:s28], [sflag:$0x8], $0x4000, $0x38;
	[tilespmem:$0x1B9C0] =	vst v63  }
0x47: {  	_ =	swait.ge [sflag:s29], $0x4000  }
0x48: {  	[sflag:s29] =	ssyncset.done $0x0  }
0x49: {  	s14 =	simm.s32 $0x300;
	[sflag:s29] =	ssyncadd.s32 $0xFFFFC000  }
0x4a: {  	[tilespmem:s25], [sflag:$0x2] =	stream.indirect.gather [spmem:s2], $0x80, s14, s23, $0xb8;
	[tilespmem:$0x1B9C0] =	vst v63  }
0x4b: {  	_ =	swait.ge [sflag:s4], $0x4000  }
0x4c: {  	[sflag:s4] =	ssyncset.done $0x0  }
0x4d: {  	s12 =	rddreg [dreg:$0xa];
	[sflag:s4] =	ssyncadd.s32 $0xFFFFC000  }
0x4e: {  	[hbm4b:s12+s3] =	stream.linear.scatter [tilespmem:s30], [sflag:$0x9], $0x4000, $0x38;
	[tilespmem:$0x1B9C0] =	vst v63  }
0x4f: {  	_ =	swait.ge [sflag:s5], $0x4000  }
0x50: {  	[sflag:s5] =	ssyncset.done $0x0  }
0x51: {  	s13 =	simm.s32 $0x380;
	[sflag:s5] =	ssyncadd.s32 $0xFFFFC000  }
0x52: {  	[tilespmem:s28], [sflag:$0x3] =	stream.indirect.gather [spmem:s2], $0x80, s13, s23, $0xb8;
	[tilespmem:$0x1B9C0] =	vst v63  }
0x53: {  	_ =	swait.ge [sflag:s6], $0x4000  }
0x54: {  	[sflag:s6] =	ssyncset.done $0x0  }
0x55: {  	s14 =	rddreg [dreg:$0xb];
	[sflag:s6] =	ssyncadd.s32 $0xFFFFC000  }
0x56: {  	[hbm4b:s14+s3] =	stream.linear.scatter [tilespmem:s0], [sflag:$0xA], $0x4000, $0x38;
	[tilespmem:$0x1B9C0] =	vst v63  }
0x57: {  	_ =	swait.ge [sflag:s8], $0x4000  }
0x58: {  	[sflag:s8] =	ssyncset.done $0x0  }
0x59: {  	s12 =	simm.s32 $0x400;
	[sflag:s8] =	ssyncadd.s32 $0xFFFFC000  }
0x5a: {  	[tilespmem:s30], [sflag:$0x4] =	stream.indirect.gather [spmem:s2], $0x80, s12, s23, $0xb8;
	[tilespmem:$0x1B9C0] =	vst v63  }
0x5b: {  	_ =	swait.ge [sflag:s31], $0x4000  }
0x5c: {  	[sflag:s31] =	ssyncset.done $0x0  }
0x5d: {  	s13 =	sadd.s32 $0xFFFFE000, s18;
	[sflag:s31] =	ssyncadd.s32 $0xFFFFC000  }
0x5e: {  	[hbm4b:s13+s3] =	stream.linear.scatter [tilespmem:s24], [sflag:$0x6], $0x4000, $0x38;
	[tilespmem:$0x1B9C0] =	vst v63  }
0x5f: {  	_ =	swait.ge [sflag:s9], $0x4000  }
0x60: {  	[sflag:s9] =	ssyncset.done $0x0  }
0x61: {  	s14 =	simm.s32 $0x480;
	[sflag:s9] =	ssyncadd.s32 $0xFFFFC000  }
0x62: {  	[tilespmem:s0], [sflag:$0x5] =	stream.indirect.gather [spmem:s2], $0x80, s14, s23, $0xb8;
	[tilespmem:$0x1B9C0] =	vst v63  }
0x63: {  	_ =	swait.ge [sflag:s26], $0x4000  }
0x64: {  	[sflag:s26] =	ssyncset.done $0x0  }
0x65: {  	s12 =	sadd.s32 $0xFFFFE800, s18;
	[sflag:s26] =	ssyncadd.s32 $0xFFFFC000  }
0x66: {  	[hbm4b:s12+s3] =	stream.linear.scatter [tilespmem:s25], [sflag:$0x7], $0x4000, $0x38;
	[tilespmem:$0x1B9C0] =	vst v63  }
0x67: {  	_ =	swait.ge [sflag:s22], $0x4000  }
0x68: {  	[sflag:s22] =	ssyncset.done $0x0  }
0x69: {  	s13 =	simm.s32 $0x500;
	[sflag:s22] =	ssyncadd.s32 $0xFFFFC000  }
0x6a: {  	[tilespmem:s24], [sflag:$0x1] =	stream.indirect.gather [spmem:s2], $0x80, s13, s23, $0xb8;
	[tilespmem:$0x1B9C0] =	vst v63  }
0x6b: {  	_ =	swait.ge [sflag:s1], $0x4000  }
0x6c: {  	[sflag:s1] =	ssyncset.done $0x0  }
0x6d: {  	s14 =	sadd.s32 $0xFFFFF000, s18;
	[sflag:s1] =	ssyncadd.s32 $0xFFFFC000  }
0x6e: {  	[hbm4b:s14+s3] =	stream.linear.scatter [tilespmem:s28], [sflag:$0x8], $0x4000, $0x38;
	[tilespmem:$0x1B9C0] =	vst v63  }
0x6f: {  	_ =	swait.ge [sflag:s29], $0x4000  }
0x70: {  	[sflag:s29] =	ssyncset.done $0x0  }
0x71: {  	s12 =	simm.s32 $0x580;
	[sflag:s29] =	ssyncadd.s32 $0xFFFFC000  }
0x72: {  	[tilespmem:s25], [sflag:$0x2] =	stream.indirect.gather [spmem:s2], $0x80, s12, s23, $0xb8;
	[tilespmem:$0x1B9C0] =	vst v63  }
0x73: {  	_ =	swait.ge [sflag:s4], $0x4000  }
0x74: {  	[sflag:s4] =	ssyncset.done $0x0  }
0x75: {  	s13 =	sadd.s32 $0xFFFFF800, s18;
	[sflag:s4] =	ssyncadd.s32 $0xFFFFC000  }
0x76: {  	[hbm4b:s13+s3] =	stream.linear.scatter [tilespmem:s30], [sflag:$0x9], $0x4000, $0x38;
	[tilespmem:$0x1B9C0] =	vst v63  }
0x77: {  	_ =	swait.ge [sflag:s5], $0x4000  }
0x78: {  	[sflag:s5] =	ssyncset.done $0x0  }
0x79: {  	s14 =	simm.s32 $0x600;
	[sflag:s5] =	ssyncadd.s32 $0xFFFFC000  }
0x7a: {  	[tilespmem:s28], [sflag:$0x3] =	stream.indirect.gather [spmem:s2], $0x80, s14, s23, $0xb8;
	[tilespmem:$0x1B9C0] =	vst v63  }
0x7b: {  	_ =	swait.ge [sflag:s6], $0x4000  }
0x7c: {  	[sflag:s6] =	ssyncset.done $0x0  }
0x7d: {  	[sflag:s6] =	ssyncadd.s32 $0xFFFFC000  }
0x7e: {  	[hbm4b:s18+s3] =	stream.linear.scatter [tilespmem:s0], [sflag:$0xA], $0x4000, $0x38;
	[tilespmem:$0x1B9C0] =	vst v63  }
0x7f: {  	_ =	swait.ge [sflag:s8], $0x4000  }
0x80: {  	s11 =	simm.s32 $0xA00;
	[sflag:s8] =	ssyncset.done $0x0  }
0x81: {  	s12 =	sadd.s32 $0x2800, s18;
	s13 =	simm.s32 $0x680;
	[sflag:s8] =	ssyncadd.s32 $0xFFFFC000  }
.LBB2_2:
0x82: {  	[tilespmem:s30], [sflag:$0x4] =	stream.indirect.gather [spmem:s2], $0x80, s13, s23, $0xb8;
	[tilespmem:$0x1B9C0] =	vst v63  }
0x83: {  	s13 =	smov.u32 s11  }
0x84: {  	p1 =	sne.s32 s11, $0x4600;
	s11 =	sadd.s32 $0xA00, s11;
	_ =	swait.ge [sflag:s31], $0x4000  }
0x85: {  	[sflag:s31] =	ssyncset.done $0x0  }
0x86: {  	s14 =	sadd.s32 $0xFFFFE000, s12;
	[sflag:s31] =	ssyncadd.s32 $0xFFFFC000  }
0x87: {  	[hbm4b:s14+s3] =	stream.linear.scatter [tilespmem:s24], [sflag:$0x6], $0x4000, $0x38;
	[tilespmem:$0x1B9C0] =	vst v63  }
0x88: {  	_ =	swait.ge [sflag:s9], $0x4000  }
0x89: {  	s13 =	sshra.s32 s13, $0x2;
	[sflag:s9] =	ssyncset.done $0x0  }
0x8a: {  	s14 =	sadd.s32 $0x480, s13;
	[sflag:s9] =	ssyncadd.s32 $0xFFFFC000  }
0x8b: {  	[tilespmem:s0], [sflag:$0x5] =	stream.indirect.gather [spmem:s2], $0x80, s14, s23, $0xb8;
	[tilespmem:$0x1B9C0] =	vst v63  }
0x8c: {  	_ =	swait.ge [sflag:s26], $0x4000  }
0x8d: {  	[sflag:s26] =	ssyncset.done $0x0  }
0x8e: {  	s14 =	sadd.s32 $0xFFFFE800, s12;
	[sflag:s26] =	ssyncadd.s32 $0xFFFFC000  }
0x8f: {  	[hbm4b:s14+s3] =	stream.linear.scatter [tilespmem:s25], [sflag:$0x7], $0x4000, $0x38;
	[tilespmem:$0x1B9C0] =	vst v63  }
0x90: {  	_ =	swait.ge [sflag:s22], $0x4000  }
0x91: {  	[sflag:s22] =	ssyncset.done $0x0  }
0x92: {  	s14 =	sadd.s32 $0x500, s13;
	[sflag:s22] =	ssyncadd.s32 $0xFFFFC000  }
0x93: {  	[tilespmem:s24], [sflag:$0x1] =	stream.indirect.gather [spmem:s2], $0x80, s14, s23, $0xb8;
	[tilespmem:$0x1B9C0] =	vst v63  }
0x94: {  	_ =	swait.ge [sflag:s1], $0x4000  }
0x95: {  	[sflag:s1] =	ssyncset.done $0x0  }
0x96: {  	s14 =	sadd.s32 $0xFFFFF000, s12;
	[sflag:s1] =	ssyncadd.s32 $0xFFFFC000  }
0x97: {  	[hbm4b:s14+s3] =	stream.linear.scatter [tilespmem:s28], [sflag:$0x8], $0x4000, $0x38;
	[tilespmem:$0x1B9C0] =	vst v63  }
0x98: {  	_ =	swait.ge [sflag:s29], $0x4000  }
0x99: {  	[sflag:s29] =	ssyncset.done $0x0  }
0x9a: {  	s14 =	sadd.s32 $0x580, s13;
	[sflag:s29] =	ssyncadd.s32 $0xFFFFC000  }
0x9b: {  	[tilespmem:s25], [sflag:$0x2] =	stream.indirect.gather [spmem:s2], $0x80, s14, s23, $0xb8;
	[tilespmem:$0x1B9C0] =	vst v63  }
0x9c: {  	_ =	swait.ge [sflag:s4], $0x4000  }
0x9d: {  	[sflag:s4] =	ssyncset.done $0x0  }
0x9e: {  	s14 =	sadd.s32 $0xFFFFF800, s12;
	[sflag:s4] =	ssyncadd.s32 $0xFFFFC000  }
0x9f: {  	[hbm4b:s14+s3] =	stream.linear.scatter [tilespmem:s30], [sflag:$0x9], $0x4000, $0x38;
	[tilespmem:$0x1B9C0] =	vst v63  }
0xa0: {  	_ =	swait.ge [sflag:s5], $0x4000  }
0xa1: {  	[sflag:s5] =	ssyncset.done $0x0  }
0xa2: {  	s14 =	sadd.s32 $0x600, s13;
	[sflag:s5] =	ssyncadd.s32 $0xFFFFC000  }
0xa3: {  	[tilespmem:s28], [sflag:$0x3] =	stream.indirect.gather [spmem:s2], $0x80, s14, s23, $0xb8;
	[tilespmem:$0x1B9C0] =	vst v63  }
0xa4: {  	_ =	swait.ge [sflag:s6], $0x4000  }
0xa5: {  	[sflag:s6] =	ssyncset.done $0x0  }
.Ltmp0:
0xa6: {  	[sflag:s6] =	ssyncadd.s32 $0xFFFFC000;
	(pc) =	sbr.rel @p1 .LBB2_2-.Ltmp0, $4  }
0xa7: {  	[hbm4b:s12+s3] =	stream.linear.scatter [tilespmem:s0], [sflag:$0xA], $0x4000, $0x38;
	[tilespmem:$0x1B9C0] =	vst v63  }
0xa8: {  	_ =	swait.ge [sflag:s8], $0x4000  }
0xa9: {  	[sflag:s8] =	ssyncset.done $0x0  }
0xaa: {  	s13 =	sadd.s32 $0x680, s13;
	s12 =	sadd.s32 $0x2800, s12;
	[sflag:s8] =	ssyncadd.s32 $0xFFFFC000  }
0xab: {  	[tilespmem:s30], [sflag:$0x4] =	stream.indirect.gather [spmem:s2], $0x80, s13, s23, $0xb8;
	[tilespmem:$0x1B9C0] =	vst v63  }
0xac: {  	_ =	swait.ge [sflag:s31], $0x4000  }
0xad: {  	[sflag:s31] =	ssyncset.done $0x0  }
0xae: {  	s11 =	rddreg [dreg:$0xc];
	[sflag:s31] =	ssyncadd.s32 $0xFFFFC000  }
0xaf: {  	[hbm4b:s11+s3] =	stream.linear.scatter [tilespmem:s24], [sflag:$0x6], $0x4000, $0x38;
	[tilespmem:$0x1B9C0] =	vst v63  }
0xb0: {  	_ =	swait.ge [sflag:s9], $0x4000  }
0xb1: {  	[sflag:s9] =	ssyncset.done $0x0  }
0xb2: {  	s12 =	simm.s32 $0x1880;
	[sflag:s9] =	ssyncadd.s32 $0xFFFFC000  }
0xb3: {  	[tilespmem:s0], [sflag:$0x5] =	stream.indirect.gather [spmem:s2], $0x80, s12, s23, $0xb8;
	[tilespmem:$0x1B9C0] =	vst v63  }
0xb4: {  	_ =	swait.ge [sflag:s26], $0x4000  }
0xb5: {  	[sflag:s26] =	ssyncset.done $0x0  }
0xb6: {  	s13 =	rddreg [dreg:$0xd];
	[sflag:s26] =	ssyncadd.s32 $0xFFFFC000  }
0xb7: {  	[hbm4b:s13+s3] =	stream.linear.scatter [tilespmem:s25], [sflag:$0x7], $0x4000, $0x38;
	[tilespmem:$0x1B9C0] =	vst v63  }
0xb8: {  	_ =	swait.ge [sflag:s22], $0x4000  }
0xb9: {  	[sflag:s22] =	ssyncset.done $0x0  }
0xba: {  	[sflag:s22] =	ssyncadd.s32 $0xFFFFC000  }
0xbb: {  	_ =	swait.ge [sflag:s1], $0x4000  }
0xbc: {  	[sflag:s1] =	ssyncset.done $0x0  }
0xbd: {  	s14 =	rddreg [dreg:$0xe];
	[sflag:s1] =	ssyncadd.s32 $0xFFFFC000  }
0xbe: {  	[hbm4b:s14+s3] =	stream.linear.scatter [tilespmem:s28], [sflag:$0x8], $0x4000, $0x38;
	[tilespmem:$0x1B9C0] =	vst v63  }
0xbf: {  	_ =	swait.ge [sflag:s29], $0x4000  }
0xc0: {  	[sflag:s29] =	ssyncset.done $0x0  }
0xc1: {  	[sflag:s29] =	ssyncadd.s32 $0xFFFFC000  }
0xc2: {  	_ =	swait.ge [sflag:s4], $0x4000  }
0xc3: {  	[sflag:s4] =	ssyncset.done $0x0  }
0xc4: {  	[sflag:s4] =	ssyncadd.s32 $0xFFFFC000  }
0xc5: {  	[hbm4b:s15+s3] =	stream.linear.scatter [tilespmem:s30], [sflag:$0x9], $0x4000, $0x38;
	[tilespmem:$0x1B9C0] =	vst v63  }
0xc6: {  	_ =	swait.ge [sflag:s5], $0x4000  }
0xc7: {  	[sflag:s5] =	ssyncset.done $0x0  }
0xc8: {  	[sflag:s5] =	ssyncadd.s32 $0xFFFFC000  }
0xc9: {  	_ =	swait.ge [sflag:s6], $0x4000  }
0xca: {  	[sflag:s6] =	ssyncset.done $0x0  }
0xcb: {  	s10 =	sadd.s32 $0x1, s10;
	[sflag:s6] =	ssyncadd.s32 $0xFFFFC000  }
0xcc: {  	[hbm4b:s16+s3] =	stream.linear.scatter [tilespmem:s0], [sflag:$0xA], $0x4000, $0x38;
	[tilespmem:$0x1B9C0] =	vst v63  }
0xcd: {  	p1 =	sne.s32 s10, s17;
	_ =	swait.ge [sflag:s8], $0x4000  }
.Ltmp1:
0xce: {  	[sflag:s8] =	ssyncset.done $0x0;
	(pc) =	sbr.rel @p1 .LBB2_1-.Ltmp1, $4  }
0xcf: {  	[sflag:s8] =	ssyncadd.s32 $0xFFFFC000  }
0xd0: {  	_ =	swait.ge [sflag:s9], $0x4000  }
0xd1: {  	[sflag:s9] =	ssyncset.done $0x0  }
0xd2: {  	[sflag:s9] =	ssyncadd.s32 $0xFFFFC000  }
0xd3: {  	_ =	sfence.sel $0x180000  }
0xd4: {  	[bflag:$0x0] =	sbarrier.arrive $0xFFFF  }
0xd5: {  	_ =	strace $0x90000047  }
0xd6: {  	s0 =	stileid.u32;
	[bflag:$0x2] =	sbarrier.arrive $0xFFFF  }
0xd7: {  	p0 =	sne.s32 s0, $0x0;
	s0 =	rddreg [dreg:$0x4]  }
0xd8: {  	s0 =	sadd.s32 @!p0 $0x100000, s0  }
0xd9: {  	[sflag:s0] =	ssyncadd.tile.s32 @!p0 $0x1;
	_ =	shalt  }
.Lfunc_end2:
_tile_overlayer_lowered:
.L_overlay_start_2:
0xda: {  	(tag) =	ssettag $0x2  }
0xdb: {  	s0 =	rddreg [dreg:$0x0];
	s2 =	stileid.u32  }
0xdc: {  	s1 =	rddreg [dreg:$0x1];
	p0 =	sne.s32 s2, $0x0  }
0xdd: {  	s3 =	rddreg [dreg:$0x2];
	[bflag:$0x3] =	sbarrier.arrive $0xFFFF;
	s2 =	simm.s32 @!p0 $0x1C0B  }
0xde: {  	[timem:s3], [sflag:s2] =	dma.local @!p0 [hbm:s0], s1  }
0xdf: {  	s0 =	simm.s32 @!p0 $0xB  }
0xe0: {  	_ =	swait.ge @!p0 [sflag:s0], s1  }
0xe1: {  	s1 =	ssub.s32 @!p0 $0x0, s1;
	[sflag:s0] =	ssyncset.done @!p0 $0x0  }
0xe2: {  	[sflag:s0] =	ssyncadd.s32 @!p0 s1  }
0xe3: {  	[bflag:$0x3] =	sbarrier.arrive $0xFFFF  }
0xe4: {  	_ =	shalt  }

</sc_bundles>
